<compile_context>
chip_gen: v7x
topology: tpu7x:2x2x1
jax: 0.10.2.dev20260603
libtpu: 0.0.44.dev20260713+nightly
codegen_flags: <defaults>
</compile_context>

<pallas_src>
import functools

import jax
import jax.numpy as jnp
from jax import lax
from jax.experimental import pallas as pl
from jax.experimental.pallas import tpu as pltpu
from jax.experimental.pallas import tpu_sc as plsc

N = 10000
D = 128
E = 320000
EPS = 1e-5

NC = 2
NS = 16
NW = NC * NS

B = 128
EPT = E // NW
CHUNKS = 4 * (-(-EPT // (4 * B)))
HALF = CHUNKS // 2
HPAIRS = HALF // 2
EPT_PAD = CHUNKS * B
E_PAD = EPT_PAD * NW

N_PAD = 10240
RPT = N_PAD // NS

_mesh = plsc.VectorSubcoreMesh(core_axis_name="c", subcore_axis_name="s")


@functools.partial(
    pl.kernel,
    mesh=_mesh,
    out_type=jax.ShapeDtypeStruct((NC, N_PAD), jnp.float32),
    scratch_types=[
        pltpu.VMEM((CHUNKS, B), jnp.int32),
        pltpu.VMEM((B,), jnp.float32),
        pltpu.VMEM_SHARED((N_PAD,), jnp.float32),
    ],
)
def _deg_kernel(dst_hbm, zero_hbm, out_hbm, dst_v, ones_v, shared):
    cid = lax.axis_index("c")
    sid = lax.axis_index("s")
    wid = sid * NC + cid
    pltpu.sync_copy(dst_hbm.at[wid], dst_v)
    for j in range(B // 16):
        ones_v[pl.ds(j * 16, 16)] = jnp.ones((16,), jnp.float32)
    pltpu.sync_copy(zero_hbm, shared.at[pl.ds(sid * RPT, RPT)])
    plsc.subcore_barrier()

    def body(c, carry):
        pltpu.sync_copy(ones_v, shared.at[dst_v.at[c]], add=True)
        return carry

    lax.fori_loop(0, CHUNKS, body, 0)
    plsc.subcore_barrier()
    pltpu.sync_copy(shared.at[pl.ds(sid * RPT, RPT)],
                    out_hbm.at[cid, pl.ds(sid * RPT, RPT)])


@functools.partial(
    pl.kernel,
    mesh=_mesh,
    out_type=jax.ShapeDtypeStruct((NC, N_PAD, D), jnp.float32),
    scratch_types=[
        pltpu.VMEM((HALF, B), jnp.int32),
        pltpu.VMEM((HALF, B), jnp.int32),
        pltpu.VMEM((B, D), jnp.float32),
        pltpu.VMEM((B, D), jnp.float32),
        pltpu.VMEM_SHARED((N_PAD, D), jnp.float32),
        pltpu.SemaphoreType.DMA,
    ],
)
def _scatter_kernel(hs_hbm, src_hbm, dst_hbm, zero_hbm, out_hbm,
                    src_v, dst_v, rows0, rows1, shared, sem):
    cid = lax.axis_index("c")
    sid = lax.axis_index("s")
    wid = sid * NC + cid
    pltpu.sync_copy(src_hbm.at[wid, 0], src_v)
    pltpu.sync_copy(dst_hbm.at[wid, 0], dst_v)
    pltpu.async_copy(hs_hbm.at[src_v.at[0]], rows0, sem)
    pltpu.sync_copy(zero_hbm, shared.at[pl.ds(sid * RPT, RPT)])
    plsc.subcore_barrier()

    def _drain(buf):
        pltpu.make_async_copy(hs_hbm.at[pl.ds(0, B)], buf, sem).wait()

    def _pair(c0, fire_next):
        c1 = c0 + 1
        _drain(rows0)
        pltpu.async_copy(hs_hbm.at[src_v.at[c1]], rows1, sem)
        pltpu.sync_copy(rows0, shared.at[dst_v.at[c0]], add=True)
        _drain(rows1)
        if fire_next:
            pltpu.async_copy(hs_hbm.at[src_v.at[c0 + 2]], rows0, sem)
        pltpu.sync_copy(rows1, shared.at[dst_v.at[c1]], add=True)

    def body(g, carry):
        _pair(2 * g, True)
        return carry

    lax.fori_loop(0, HPAIRS - 1, body, 0)
    _pair(2 * (HPAIRS - 1), False)
    pltpu.sync_copy(src_hbm.at[wid, 1], src_v)
    pltpu.sync_copy(dst_hbm.at[wid, 1], dst_v)
    pltpu.async_copy(hs_hbm.at[src_v.at[0]], rows0, sem)
    lax.fori_loop(0, HPAIRS - 1, body, 0)
    _pair(2 * (HPAIRS - 1), False)
    plsc.subcore_barrier()
    pltpu.sync_copy(shared.at[pl.ds(sid * RPT, RPT)],
                    out_hbm.at[cid, pl.ds(sid * RPT, RPT)])


def _dense1_body(x_ref, w_ref, d_ref, hs_ref, dinv_ref):
    deg = 1.0 + d_ref[0, :, :] + d_ref[1, :, :]
    dv = lax.rsqrt(deg)
    h = jnp.dot(x_ref[...], w_ref[...], preferred_element_type=jnp.float32)
    hs_ref[...] = h * dv
    dinv_ref[...] = dv


_dense1 = pl.pallas_call(
    _dense1_body,
    out_shape=(jax.ShapeDtypeStruct((N, D), jnp.float32),
               jax.ShapeDtypeStruct((N, 1), jnp.float32)),
)


def _dense2_body(s_ref, hs_ref, dinv_ref, b_ref, g_ref, bt_ref, o_ref):
    agg = dinv_ref[...] * (s_ref[0, :, :] + s_ref[1, :, :] + hs_ref[...])
    act = jnp.tanh(agg + b_ref[...])
    mean = jnp.mean(act, axis=0, keepdims=True)
    cent = act - mean
    var = jnp.mean(cent * cent, axis=0, keepdims=True)
    o_ref[...] = g_ref[...] * cent * lax.rsqrt(var + EPS) + bt_ref[...]


_dense2 = pl.pallas_call(
    _dense2_body,
    out_shape=jax.ShapeDtypeStruct((N, D), jnp.float32),
)


def kernel(x, edge_index, W, b, gamma, beta):
    src = edge_index[0].astype(jnp.int32)
    dst = edge_index[1].astype(jnp.int32)
    pad = E_PAD - E
    pad_dst = N + (jnp.arange(pad, dtype=jnp.int32) % (N_PAD - N))
    src = jnp.concatenate([src, jnp.zeros((pad,), jnp.int32)]).reshape(NW, CHUNKS, B)
    dst = jnp.concatenate([dst, pad_dst]).reshape(NW, CHUNKS, B)
    src2 = src.reshape(NW, 2, HALF, B)
    dst2 = dst.reshape(NW, 2, HALF, B)

    zero_deg = jnp.zeros((RPT,), jnp.float32)
    zero_row = jnp.zeros((RPT, D), jnp.float32)

    cnt = _deg_kernel(dst, zero_deg)
    hs, dinv = _dense1(x, W, cnt[:, :N].reshape(NC, N, 1))
    S2 = _scatter_kernel(hs, src2, dst2, zero_row)
    out = _dense2(S2[:, :N, :], hs, dinv,
                  b.reshape(1, D), gamma.reshape(1, D), beta.reshape(1, D))
    return out

# --- scband reference (transcript-rebuilt; emitter-appended) ---
"""Pipeline reference for scband-bgcnencoder-12292196401321 (READ-ONLY COPY).

The authoritative reference and input builder live on the scoring server;
editing this copy changes nothing except your own understanding.
"""

import jax, jax.numpy as jnp
import numpy as np

N_NODES = 10000
D_IN = 128
D_OUT = 128
N_EDGES = 320000
EPS = 1e-5


def setup_inputs(seed: int = 0) -> dict:
    key = jax.random.key(seed)
    k1, k2, k3, k4 = jax.random.split(key, 4)
    x = jax.random.normal(k1, (N_NODES, D_IN), dtype=jnp.float32)
    edge_index = jax.random.randint(k2, (2, N_EDGES), 0, N_NODES, dtype=jnp.int64)
    W = jax.random.normal(k3, (D_IN, D_OUT), dtype=jnp.float32) * (1.0 / np.sqrt(D_IN))
    b = jnp.zeros((D_OUT,), dtype=jnp.float32)
    gamma = jnp.ones((D_OUT,), dtype=jnp.float32)
    beta = jnp.zeros((D_OUT,), dtype=jnp.float32)
    return {"x": x, "edge_index": edge_index, "W": W, "b": b, "gamma": gamma, "beta": beta}


def reference(x, edge_index, W, b, gamma, beta):
    n = x.shape[0]
    src = edge_index[0]
    dst = edge_index[1]
    # GCN-style conv with added self-loops and symmetric normalization
    loop = jnp.arange(n, dtype=edge_index.dtype)
    src = jnp.concatenate([src, loop], axis=0)
    dst = jnp.concatenate([dst, loop], axis=0)
    ones = jnp.ones(src.shape[0], dtype=x.dtype)
    deg = jax.ops.segment_sum(ones, dst, num_segments=n)
    deg_inv_sqrt = jnp.where(deg > 0, jax.lax.rsqrt(jnp.maximum(deg, 1e-12)), 0.0)
    norm = deg_inv_sqrt[src] * deg_inv_sqrt[dst]
    h = x @ W
    msg = h[src] * norm[:, None]
    agg = jax.ops.segment_sum(msg, dst, num_segments=n)
    conv_out = agg + b
    # tanh activation
    act = jnp.tanh(conv_out)
    # BatchNorm over the node dimension (training-mode batch statistics)
    mean = jnp.mean(act, axis=0)
    var = jnp.var(act, axis=0)
    out = gamma * (act - mean) * jax.lax.rsqrt(var + EPS) + beta
    return out

if __name__ == "__main__":
    import jax
    _d = setup_inputs()
    print(jax.jit(kernel)(*tuple(_d.values())))

</pallas_src>

<mosaic_0001>
#map = affine_map<(d0, d1) -> (0, 0)>
#map1 = affine_map<(d0, d1) -> (0, 0, 0, 0)>
#map2 = affine_map<(d0, d1) -> (0, 0, 0)>
module attributes {stable_mosaic.version = 14 : i64} {
  func.func @_scatter_kernel(%arg0: i32, %arg1: i32, %arg2: memref<10000x128xf32, #tpu.memory_space<hbm>>, %arg3: memref<32x2x40x128xi32, #tpu.memory_space<hbm>>, %arg4: memref<32x2x40x128xi32, #tpu.memory_space<hbm>>, %arg5: memref<640x128xf32, #tpu.memory_space<hbm>>, %arg6: memref<2x10240x128xf32, #tpu.memory_space<hbm>>, %arg7: memref<40x128xi32, #tpu.memory_space<vmem>>, %arg8: memref<40x128xi32, #tpu.memory_space<vmem>>, %arg9: memref<128x128xf32, #tpu.memory_space<vmem>>, %arg10: memref<128x128xf32, #tpu.memory_space<vmem>>, %arg11: memref<10240x128xf32, #tpu.memory_space<vmem_shared>>, %arg12: memref<!tpu.dma_semaphore, #tpu.memory_space<semaphore_mem>>) attributes {dimension_semantics = [#tpu.dimension_semantics<core_parallel>, #tpu.dimension_semantics<subcore_parallel>], iteration_bounds = array<i64: 2, 16>, scalar_prefetch = 0 : i64, scratch_operands = 6 : i64, tpu.core_type = #tpu.core_type<sc_vector_subcore>, window_params = [{transform_indices = #map}, {transform_indices = #map1}, {transform_indices = #map1}, {transform_indices = #map}, {transform_indices = #map2}]} {
    %mul3A = arith.constant 2 : i32
    %mul3A_0 = arith.muli %arg1, %mul3A : i32
    %add3A = arith.addi %mul3A_0, %arg0 : i32
    %run_scoped3A = arith.constant 0 : i32
    "tpu.region"() ({
      %run_scoped3A_76 = tpu.sem_alloc : memref<!tpu.dma_semaphore, #tpu.memory_space<semaphore_mem>>
      %dma_start3A_77 = arith.constant 0 : i32
      %dma_start3A_78 = arith.constant 0 : i32
      %dma_start3A_79 = tpu.memref_slice %arg3[%add3A, %run_scoped3A, %dma_start3A_77, %dma_start3A_78] : memref<32x2x40x128xi32, #tpu.memory_space<hbm>> -> memref<1x1x40x128xi32, #tpu.memory_space<hbm>>
      %dma_start3A_80 = tpu.memref_squeeze %dma_start3A_79 : memref<1x1x40x128xi32, #tpu.memory_space<hbm>> -> memref<40x128xi32, #tpu.memory_space<hbm>>
      %dma_start3A_81 = arith.constant 0 : i32
      %dma_start3A_82 = arith.constant 0 : i32
      %dma_start3A_83 = tpu.memref_slice %arg3[%add3A, %run_scoped3A, %dma_start3A_81, %dma_start3A_82] : memref<32x2x40x128xi32, #tpu.memory_space<hbm>> -> memref<1x1x40x128xi32, #tpu.memory_space<hbm>>
      %dma_start3A_84 = tpu.memref_squeeze %dma_start3A_83 : memref<1x1x40x128xi32, #tpu.memory_space<hbm>> -> memref<40x128xi32, #tpu.memory_space<hbm>>
      tpu.enqueue_dma source(%dma_start3A_84 : memref<40x128xi32, #tpu.memory_space<hbm>>) target(%arg7 : memref<40x128xi32, #tpu.memory_space<vmem>>) target_semaphore(%run_scoped3A_76 : memref<!tpu.dma_semaphore, #tpu.memory_space<semaphore_mem>>)
      %dma_wait3A_85 = arith.constant 0 : i32
      %dma_wait3A_86 = arith.constant 0 : i32
      %dma_wait3A_87 = tpu.memref_slice %arg3[%add3A, %run_scoped3A, %dma_wait3A_85, %dma_wait3A_86] : memref<32x2x40x128xi32, #tpu.memory_space<hbm>> -> memref<1x1x40x128xi32, #tpu.memory_space<hbm>>
      %dma_wait3A_88 = tpu.memref_squeeze %dma_wait3A_87 : memref<1x1x40x128xi32, #tpu.memory_space<hbm>> -> memref<40x128xi32, #tpu.memory_space<hbm>>
      %dma_wait3A_89 = arith.constant 0 : i32
      %dma_wait3A_90 = arith.constant 0 : i32
      %dma_wait3A_91 = tpu.memref_slice %arg3[%add3A, %run_scoped3A, %dma_wait3A_89, %dma_wait3A_90] : memref<32x2x40x128xi32, #tpu.memory_space<hbm>> -> memref<1x1x40x128xi32, #tpu.memory_space<hbm>>
      %dma_wait3A_92 = tpu.memref_squeeze %dma_wait3A_91 : memref<1x1x40x128xi32, #tpu.memory_space<hbm>> -> memref<40x128xi32, #tpu.memory_space<hbm>>
      tpu.wait_dma2 semaphore(%run_scoped3A_76 : memref<!tpu.dma_semaphore, #tpu.memory_space<semaphore_mem>>) src(%dma_wait3A_92 : memref<40x128xi32, #tpu.memory_space<hbm>>) dst(%arg7 : memref<40x128xi32, #tpu.memory_space<vmem>>)
      tpu.yield
    }) : () -> ()
    %run_scoped3A_1 = arith.constant 0 : i32
    "tpu.region"() ({
      %run_scoped3A_76 = tpu.sem_alloc : memref<!tpu.dma_semaphore, #tpu.memory_space<semaphore_mem>>
      %dma_start3A_77 = arith.constant 0 : i32
      %dma_start3A_78 = arith.constant 0 : i32
      %dma_start3A_79 = tpu.memref_slice %arg4[%add3A, %run_scoped3A_1, %dma_start3A_77, %dma_start3A_78] : memref<32x2x40x128xi32, #tpu.memory_space<hbm>> -> memref<1x1x40x128xi32, #tpu.memory_space<hbm>>
      %dma_start3A_80 = tpu.memref_squeeze %dma_start3A_79 : memref<1x1x40x128xi32, #tpu.memory_space<hbm>> -> memref<40x128xi32, #tpu.memory_space<hbm>>
      %dma_start3A_81 = arith.constant 0 : i32
      %dma_start3A_82 = arith.constant 0 : i32
      %dma_start3A_83 = tpu.memref_slice %arg4[%add3A, %run_scoped3A_1, %dma_start3A_81, %dma_start3A_82] : memref<32x2x40x128xi32, #tpu.memory_space<hbm>> -> memref<1x1x40x128xi32, #tpu.memory_space<hbm>>
      %dma_start3A_84 = tpu.memref_squeeze %dma_start3A_83 : memref<1x1x40x128xi32, #tpu.memory_space<hbm>> -> memref<40x128xi32, #tpu.memory_space<hbm>>
      tpu.enqueue_dma source(%dma_start3A_84 : memref<40x128xi32, #tpu.memory_space<hbm>>) target(%arg8 : memref<40x128xi32, #tpu.memory_space<vmem>>) target_semaphore(%run_scoped3A_76 : memref<!tpu.dma_semaphore, #tpu.memory_space<semaphore_mem>>)
      %dma_wait3A_85 = arith.constant 0 : i32
      %dma_wait3A_86 = arith.constant 0 : i32
      %dma_wait3A_87 = tpu.memref_slice %arg4[%add3A, %run_scoped3A_1, %dma_wait3A_85, %dma_wait3A_86] : memref<32x2x40x128xi32, #tpu.memory_space<hbm>> -> memref<1x1x40x128xi32, #tpu.memory_space<hbm>>
      %dma_wait3A_88 = tpu.memref_squeeze %dma_wait3A_87 : memref<1x1x40x128xi32, #tpu.memory_space<hbm>> -> memref<40x128xi32, #tpu.memory_space<hbm>>
      %dma_wait3A_89 = arith.constant 0 : i32
      %dma_wait3A_90 = arith.constant 0 : i32
      %dma_wait3A_91 = tpu.memref_slice %arg4[%add3A, %run_scoped3A_1, %dma_wait3A_89, %dma_wait3A_90] : memref<32x2x40x128xi32, #tpu.memory_space<hbm>> -> memref<1x1x40x128xi32, #tpu.memory_space<hbm>>
      %dma_wait3A_92 = tpu.memref_squeeze %dma_wait3A_91 : memref<1x1x40x128xi32, #tpu.memory_space<hbm>> -> memref<40x128xi32, #tpu.memory_space<hbm>>
      tpu.wait_dma2 semaphore(%run_scoped3A_76 : memref<!tpu.dma_semaphore, #tpu.memory_space<semaphore_mem>>) src(%dma_wait3A_92 : memref<40x128xi32, #tpu.memory_space<hbm>>) dst(%arg8 : memref<40x128xi32, #tpu.memory_space<vmem>>)
      tpu.yield
    }) : () -> ()
    %dma_start3A = arith.constant 0 : i32
    %dma_start3A_2 = arith.constant 0 : i32
    %dma_start3A_3 = tpu.memref_slice %arg7[%dma_start3A, %dma_start3A_2] : memref<40x128xi32, #tpu.memory_space<vmem>> -> memref<1x128xi32, #tpu.memory_space<vmem>>
    %dma_start3A_4 = tpu.memref_squeeze %dma_start3A_3 : memref<1x128xi32, #tpu.memory_space<vmem>> -> memref<128xi32, #tpu.memory_space<vmem>>
    %dma_start3A_5 = arith.constant 0 : i32
    %dma_start3A_6 = arith.constant 0 : i32
    %dma_start3A_7 = tpu.memref_slice %arg2[%dma_start3A_5, %dma_start3A_6] : memref<10000x128xf32, #tpu.memory_space<hbm>> -> memref<10000x128xf32, #tpu.memory_space<hbm>>
    tpu.enqueue_indirect_dma source(%dma_start3A_7 : memref<10000x128xf32, #tpu.memory_space<hbm>>) target(%arg9 : memref<128x128xf32, #tpu.memory_space<vmem>>) offsets(%dma_start3A_4 : memref<128xi32, #tpu.memory_space<vmem>>) semaphore(%arg12 : memref<!tpu.dma_semaphore, #tpu.memory_space<semaphore_mem>>)
    %mul3A_8 = arith.constant 640 : i32
    %mul3A_9 = arith.muli %arg1, %mul3A_8 : i32
    "tpu.region"() ({
      %run_scoped3A_76 = tpu.sem_alloc : memref<!tpu.dma_semaphore, #tpu.memory_space<semaphore_mem>>
      %dma_start3A_77 = arith.constant 0 : i32
      %dma_start3A_78 = tpu.memref_slice %arg11[%mul3A_9, %dma_start3A_77] : memref<10240x128xf32, #tpu.memory_space<vmem_shared>> -> memref<640x128xf32, #tpu.memory_space<vmem_shared>>
      tpu.enqueue_dma source(%arg5 : memref<640x128xf32, #tpu.memory_space<hbm>>) target(%dma_start3A_78 : memref<640x128xf32, #tpu.memory_space<vmem_shared>>) target_semaphore(%run_scoped3A_76 : memref<!tpu.dma_semaphore, #tpu.memory_space<semaphore_mem>>)
      %dma_wait3A_79 = arith.constant 0 : i32
      %dma_wait3A_80 = tpu.memref_slice %arg11[%mul3A_9, %dma_wait3A_79] : memref<10240x128xf32, #tpu.memory_space<vmem_shared>> -> memref<640x128xf32, #tpu.memory_space<vmem_shared>>
      tpu.wait_dma2 semaphore(%run_scoped3A_76 : memref<!tpu.dma_semaphore, #tpu.memory_space<semaphore_mem>>) src(%arg5 : memref<640x128xf32, #tpu.memory_space<hbm>>) dst(%dma_wait3A_80 : memref<640x128xf32, #tpu.memory_space<vmem_shared>>)
      tpu.yield
    }) : () -> ()
    %barrier3A = arith.constant 0 : index
    tpu.barrier barrier_id(%barrier3A)
    %scan3A = arith.constant 0 : i32
    %scan3A_10 = arith.constant 0 : i32
    %scan3A_11 = arith.constant 19 : i32
    %scan3A_12 = arith.addi %scan3A_10, %scan3A_11 : i32
    %scan3A_13 = arith.constant 1 : i32
    scf.for %scan3A_76 = %scan3A_10 to %scan3A_12 step %scan3A_13  : i32 {
      %mul3A_77 = arith.constant 2 : i32
      %mul3A_78 = arith.muli %mul3A_77, %scan3A_76 : i32
      %add3A_79 = arith.constant 1 : i32
      %add3A_80 = arith.addi %mul3A_78, %add3A_79 : i32
      %dma_wait3A_81 = arith.constant 0 : i32
      %dma_wait3A_82 = arith.constant 0 : i32
      %dma_wait3A_83 = tpu.memref_slice %arg2[%dma_wait3A_81, %dma_wait3A_82] : memref<10000x128xf32, #tpu.memory_space<hbm>> -> memref<128x128xf32, #tpu.memory_space<hbm>>
      %dma_wait3A_84 = arith.constant 0 : i32
      %dma_wait3A_85 = arith.constant 0 : i32
      %dma_wait3A_86 = tpu.memref_slice %arg2[%dma_wait3A_84, %dma_wait3A_85] : memref<10000x128xf32, #tpu.memory_space<hbm>> -> memref<128x128xf32, #tpu.memory_space<hbm>>
      tpu.wait_dma2 semaphore(%arg12 : memref<!tpu.dma_semaphore, #tpu.memory_space<semaphore_mem>>) src(%dma_wait3A_86 : memref<128x128xf32, #tpu.memory_space<hbm>>) dst(%arg9 : memref<128x128xf32, #tpu.memory_space<vmem>>)
      %dma_start3A_87 = arith.constant 0 : i32
      %dma_start3A_88 = tpu.memref_slice %arg7[%add3A_80, %dma_start3A_87] : memref<40x128xi32, #tpu.memory_space<vmem>> -> memref<1x128xi32, #tpu.memory_space<vmem>>
      %dma_start3A_89 = tpu.memref_squeeze %dma_start3A_88 : memref<1x128xi32, #tpu.memory_space<vmem>> -> memref<128xi32, #tpu.memory_space<vmem>>
      %dma_start3A_90 = arith.constant 0 : i32
      %dma_start3A_91 = arith.constant 0 : i32
      %dma_start3A_92 = tpu.memref_slice %arg2[%dma_start3A_90, %dma_start3A_91] : memref<10000x128xf32, #tpu.memory_space<hbm>> -> memref<10000x128xf32, #tpu.memory_space<hbm>>
      tpu.enqueue_indirect_dma source(%dma_start3A_92 : memref<10000x128xf32, #tpu.memory_space<hbm>>) target(%arg10 : memref<128x128xf32, #tpu.memory_space<vmem>>) offsets(%dma_start3A_89 : memref<128xi32, #tpu.memory_space<vmem>>) semaphore(%arg12 : memref<!tpu.dma_semaphore, #tpu.memory_space<semaphore_mem>>)
      "tpu.region"() ({
        %run_scoped3A_107 = tpu.sem_alloc : memref<!tpu.dma_semaphore, #tpu.memory_space<semaphore_mem>>
        %dma_start3A_108 = arith.constant 0 : i32
        %dma_start3A_109 = tpu.memref_slice %arg8[%mul3A_78, %dma_start3A_108] : memref<40x128xi32, #tpu.memory_space<vmem>> -> memref<1x128xi32, #tpu.memory_space<vmem>>
        %dma_start3A_110 = tpu.memref_squeeze %dma_start3A_109 : memref<1x128xi32, #tpu.memory_space<vmem>> -> memref<128xi32, #tpu.memory_space<vmem>>
        %dma_start3A_111 = arith.constant 0 : i32
        %dma_start3A_112 = arith.constant 0 : i32
        %dma_start3A_113 = tpu.memref_slice %arg11[%dma_start3A_111, %dma_start3A_112] : memref<10240x128xf32, #tpu.memory_space<vmem_shared>> -> memref<10240x128xf32, #tpu.memory_space<vmem_shared>>
        tpu.enqueue_indirect_dma source(%arg9 : memref<128x128xf32, #tpu.memory_space<vmem>>) target(%dma_start3A_113 : memref<10240x128xf32, #tpu.memory_space<vmem_shared>>) offsets(%dma_start3A_110 : memref<128xi32, #tpu.memory_space<vmem>>) semaphore(%run_scoped3A_107 : memref<!tpu.dma_semaphore, #tpu.memory_space<semaphore_mem>>) {add = true}
        %dma_wait3A_114 = arith.constant 0 : i32
        %dma_wait3A_115 = tpu.memref_slice %arg8[%mul3A_78, %dma_wait3A_114] : memref<40x128xi32, #tpu.memory_space<vmem>> -> memref<1x128xi32, #tpu.memory_space<vmem>>
        %dma_wait3A_116 = tpu.memref_squeeze %dma_wait3A_115 : memref<1x128xi32, #tpu.memory_space<vmem>> -> memref<128xi32, #tpu.memory_space<vmem>>
        %dma_wait3A_117 = arith.constant 0 : i32
        %dma_wait3A_118 = arith.constant 0 : i32
        %dma_wait3A_119 = tpu.memref_slice %arg11[%dma_wait3A_117, %dma_wait3A_118] : memref<10240x128xf32, #tpu.memory_space<vmem_shared>> -> memref<10240x128xf32, #tpu.memory_space<vmem_shared>>
        tpu.wait_indirect_dma semaphore(%run_scoped3A_107 : memref<!tpu.dma_semaphore, #tpu.memory_space<semaphore_mem>>) src(%arg9 : memref<128x128xf32, #tpu.memory_space<vmem>>) dst(%dma_wait3A_119 : memref<10240x128xf32, #tpu.memory_space<vmem_shared>>)
        tpu.yield
      }) : () -> ()
      %dma_wait3A_93 = arith.constant 0 : i32
      %dma_wait3A_94 = arith.constant 0 : i32
      %dma_wait3A_95 = tpu.memref_slice %arg2[%dma_wait3A_93, %dma_wait3A_94] : memref<10000x128xf32, #tpu.memory_space<hbm>> -> memref<128x128xf32, #tpu.memory_space<hbm>>
      %dma_wait3A_96 = arith.constant 0 : i32
      %dma_wait3A_97 = arith.constant 0 : i32
      %dma_wait3A_98 = tpu.memref_slice %arg2[%dma_wait3A_96, %dma_wait3A_97] : memref<10000x128xf32, #tpu.memory_space<hbm>> -> memref<128x128xf32, #tpu.memory_space<hbm>>
      tpu.wait_dma2 semaphore(%arg12 : memref<!tpu.dma_semaphore, #tpu.memory_space<semaphore_mem>>) src(%dma_wait3A_98 : memref<128x128xf32, #tpu.memory_space<hbm>>) dst(%arg10 : memref<128x128xf32, #tpu.memory_space<vmem>>)
      %add3A_99 = arith.constant 2 : i32
      %add3A_100 = arith.addi %mul3A_78, %add3A_99 : i32
      %dma_start3A_101 = arith.constant 0 : i32
      %dma_start3A_102 = tpu.memref_slice %arg7[%add3A_100, %dma_start3A_101] : memref<40x128xi32, #tpu.memory_space<vmem>> -> memref<1x128xi32, #tpu.memory_space<vmem>>
      %dma_start3A_103 = tpu.memref_squeeze %dma_start3A_102 : memref<1x128xi32, #tpu.memory_space<vmem>> -> memref<128xi32, #tpu.memory_space<vmem>>
      %dma_start3A_104 = arith.constant 0 : i32
      %dma_start3A_105 = arith.constant 0 : i32
      %dma_start3A_106 = tpu.memref_slice %arg2[%dma_start3A_104, %dma_start3A_105] : memref<10000x128xf32, #tpu.memory_space<hbm>> -> memref<10000x128xf32, #tpu.memory_space<hbm>>
      tpu.enqueue_indirect_dma source(%dma_start3A_106 : memref<10000x128xf32, #tpu.memory_space<hbm>>) target(%arg9 : memref<128x128xf32, #tpu.memory_space<vmem>>) offsets(%dma_start3A_103 : memref<128xi32, #tpu.memory_space<vmem>>) semaphore(%arg12 : memref<!tpu.dma_semaphore, #tpu.memory_space<semaphore_mem>>)
      "tpu.region"() ({
        %run_scoped3A_107 = tpu.sem_alloc : memref<!tpu.dma_semaphore, #tpu.memory_space<semaphore_mem>>
        %dma_start3A_108 = arith.constant 0 : i32
        %dma_start3A_109 = tpu.memref_slice %arg8[%add3A_80, %dma_start3A_108] : memref<40x128xi32, #tpu.memory_space<vmem>> -> memref<1x128xi32, #tpu.memory_space<vmem>>
        %dma_start3A_110 = tpu.memref_squeeze %dma_start3A_109 : memref<1x128xi32, #tpu.memory_space<vmem>> -> memref<128xi32, #tpu.memory_space<vmem>>
        %dma_start3A_111 = arith.constant 0 : i32
        %dma_start3A_112 = arith.constant 0 : i32
        %dma_start3A_113 = tpu.memref_slice %arg11[%dma_start3A_111, %dma_start3A_112] : memref<10240x128xf32, #tpu.memory_space<vmem_shared>> -> memref<10240x128xf32, #tpu.memory_space<vmem_shared>>
        tpu.enqueue_indirect_dma source(%arg10 : memref<128x128xf32, #tpu.memory_space<vmem>>) target(%dma_start3A_113 : memref<10240x128xf32, #tpu.memory_space<vmem_shared>>) offsets(%dma_start3A_110 : memref<128xi32, #tpu.memory_space<vmem>>) semaphore(%run_scoped3A_107 : memref<!tpu.dma_semaphore, #tpu.memory_space<semaphore_mem>>) {add = true}
        %dma_wait3A_114 = arith.constant 0 : i32
        %dma_wait3A_115 = tpu.memref_slice %arg8[%add3A_80, %dma_wait3A_114] : memref<40x128xi32, #tpu.memory_space<vmem>> -> memref<1x128xi32, #tpu.memory_space<vmem>>
        %dma_wait3A_116 = tpu.memref_squeeze %dma_wait3A_115 : memref<1x128xi32, #tpu.memory_space<vmem>> -> memref<128xi32, #tpu.memory_space<vmem>>
        %dma_wait3A_117 = arith.constant 0 : i32
        %dma_wait3A_118 = arith.constant 0 : i32
        %dma_wait3A_119 = tpu.memref_slice %arg11[%dma_wait3A_117, %dma_wait3A_118] : memref<10240x128xf32, #tpu.memory_space<vmem_shared>> -> memref<10240x128xf32, #tpu.memory_space<vmem_shared>>
        tpu.wait_indirect_dma semaphore(%run_scoped3A_107 : memref<!tpu.dma_semaphore, #tpu.memory_space<semaphore_mem>>) src(%arg10 : memref<128x128xf32, #tpu.memory_space<vmem>>) dst(%dma_wait3A_119 : memref<10240x128xf32, #tpu.memory_space<vmem_shared>>)
        tpu.yield
      }) : () -> ()
    }
    %scan3A_14 = arith.constant 19 : i32
    %dma_wait3A = arith.constant 0 : i32
    %dma_wait3A_15 = arith.constant 0 : i32
    %dma_wait3A_16 = tpu.memref_slice %arg2[%dma_wait3A, %dma_wait3A_15] : memref<10000x128xf32, #tpu.memory_space<hbm>> -> memref<128x128xf32, #tpu.memory_space<hbm>>
    %dma_wait3A_17 = arith.constant 0 : i32
    %dma_wait3A_18 = arith.constant 0 : i32
    %dma_wait3A_19 = tpu.memref_slice %arg2[%dma_wait3A_17, %dma_wait3A_18] : memref<10000x128xf32, #tpu.memory_space<hbm>> -> memref<128x128xf32, #tpu.memory_space<hbm>>
    tpu.wait_dma2 semaphore(%arg12 : memref<!tpu.dma_semaphore, #tpu.memory_space<semaphore_mem>>) src(%dma_wait3A_19 : memref<128x128xf32, #tpu.memory_space<hbm>>) dst(%arg9 : memref<128x128xf32, #tpu.memory_space<vmem>>)
    %dma_start3A_20 = arith.constant 39 : i32
    %dma_start3A_21 = arith.constant 0 : i32
    %dma_start3A_22 = tpu.memref_slice %arg7[%dma_start3A_20, %dma_start3A_21] : memref<40x128xi32, #tpu.memory_space<vmem>> -> memref<1x128xi32, #tpu.memory_space<vmem>>
    %dma_start3A_23 = tpu.memref_squeeze %dma_start3A_22 : memref<1x128xi32, #tpu.memory_space<vmem>> -> memref<128xi32, #tpu.memory_space<vmem>>
    %dma_start3A_24 = arith.constant 0 : i32
    %dma_start3A_25 = arith.constant 0 : i32
    %dma_start3A_26 = tpu.memref_slice %arg2[%dma_start3A_24, %dma_start3A_25] : memref<10000x128xf32, #tpu.memory_space<hbm>> -> memref<10000x128xf32, #tpu.memory_space<hbm>>
    tpu.enqueue_indirect_dma source(%dma_start3A_26 : memref<10000x128xf32, #tpu.memory_space<hbm>>) target(%arg10 : memref<128x128xf32, #tpu.memory_space<vmem>>) offsets(%dma_start3A_23 : memref<128xi32, #tpu.memory_space<vmem>>) semaphore(%arg12 : memref<!tpu.dma_semaphore, #tpu.memory_space<semaphore_mem>>)
    %run_scoped3A_27 = arith.constant 38 : i32
    "tpu.region"() ({
      %run_scoped3A_76 = tpu.sem_alloc : memref<!tpu.dma_semaphore, #tpu.memory_space<semaphore_mem>>
      %dma_start3A_77 = arith.constant 0 : i32
      %dma_start3A_78 = tpu.memref_slice %arg8[%run_scoped3A_27, %dma_start3A_77] : memref<40x128xi32, #tpu.memory_space<vmem>> -> memref<1x128xi32, #tpu.memory_space<vmem>>
      %dma_start3A_79 = tpu.memref_squeeze %dma_start3A_78 : memref<1x128xi32, #tpu.memory_space<vmem>> -> memref<128xi32, #tpu.memory_space<vmem>>
      %dma_start3A_80 = arith.constant 0 : i32
      %dma_start3A_81 = arith.constant 0 : i32
      %dma_start3A_82 = tpu.memref_slice %arg11[%dma_start3A_80, %dma_start3A_81] : memref<10240x128xf32, #tpu.memory_space<vmem_shared>> -> memref<10240x128xf32, #tpu.memory_space<vmem_shared>>
      tpu.enqueue_indirect_dma source(%arg9 : memref<128x128xf32, #tpu.memory_space<vmem>>) target(%dma_start3A_82 : memref<10240x128xf32, #tpu.memory_space<vmem_shared>>) offsets(%dma_start3A_79 : memref<128xi32, #tpu.memory_space<vmem>>) semaphore(%run_scoped3A_76 : memref<!tpu.dma_semaphore, #tpu.memory_space<semaphore_mem>>) {add = true}
      %dma_wait3A_83 = arith.constant 0 : i32
      %dma_wait3A_84 = tpu.memref_slice %arg8[%run_scoped3A_27, %dma_wait3A_83] : memref<40x128xi32, #tpu.memory_space<vmem>> -> memref<1x128xi32, #tpu.memory_space<vmem>>
      %dma_wait3A_85 = tpu.memref_squeeze %dma_wait3A_84 : memref<1x128xi32, #tpu.memory_space<vmem>> -> memref<128xi32, #tpu.memory_space<vmem>>
      %dma_wait3A_86 = arith.constant 0 : i32
      %dma_wait3A_87 = arith.constant 0 : i32
      %dma_wait3A_88 = tpu.memref_slice %arg11[%dma_wait3A_86, %dma_wait3A_87] : memref<10240x128xf32, #tpu.memory_space<vmem_shared>> -> memref<10240x128xf32, #tpu.memory_space<vmem_shared>>
      tpu.wait_indirect_dma semaphore(%run_scoped3A_76 : memref<!tpu.dma_semaphore, #tpu.memory_space<semaphore_mem>>) src(%arg9 : memref<128x128xf32, #tpu.memory_space<vmem>>) dst(%dma_wait3A_88 : memref<10240x128xf32, #tpu.memory_space<vmem_shared>>)
      tpu.yield
    }) : () -> ()
    %dma_wait3A_28 = arith.constant 0 : i32
    %dma_wait3A_29 = arith.constant 0 : i32
    %dma_wait3A_30 = tpu.memref_slice %arg2[%dma_wait3A_28, %dma_wait3A_29] : memref<10000x128xf32, #tpu.memory_space<hbm>> -> memref<128x128xf32, #tpu.memory_space<hbm>>
    %dma_wait3A_31 = arith.constant 0 : i32
    %dma_wait3A_32 = arith.constant 0 : i32
    %dma_wait3A_33 = tpu.memref_slice %arg2[%dma_wait3A_31, %dma_wait3A_32] : memref<10000x128xf32, #tpu.memory_space<hbm>> -> memref<128x128xf32, #tpu.memory_space<hbm>>
    tpu.wait_dma2 semaphore(%arg12 : memref<!tpu.dma_semaphore, #tpu.memory_space<semaphore_mem>>) src(%dma_wait3A_33 : memref<128x128xf32, #tpu.memory_space<hbm>>) dst(%arg10 : memref<128x128xf32, #tpu.memory_space<vmem>>)
    %run_scoped3A_34 = arith.constant 39 : i32
    "tpu.region"() ({
      %run_scoped3A_76 = tpu.sem_alloc : memref<!tpu.dma_semaphore, #tpu.memory_space<semaphore_mem>>
      %dma_start3A_77 = arith.constant 0 : i32
      %dma_start3A_78 = tpu.memref_slice %arg8[%run_scoped3A_34, %dma_start3A_77] : memref<40x128xi32, #tpu.memory_space<vmem>> -> memref<1x128xi32, #tpu.memory_space<vmem>>
      %dma_start3A_79 = tpu.memref_squeeze %dma_start3A_78 : memref<1x128xi32, #tpu.memory_space<vmem>> -> memref<128xi32, #tpu.memory_space<vmem>>
      %dma_start3A_80 = arith.constant 0 : i32
      %dma_start3A_81 = arith.constant 0 : i32
      %dma_start3A_82 = tpu.memref_slice %arg11[%dma_start3A_80, %dma_start3A_81] : memref<10240x128xf32, #tpu.memory_space<vmem_shared>> -> memref<10240x128xf32, #tpu.memory_space<vmem_shared>>
      tpu.enqueue_indirect_dma source(%arg10 : memref<128x128xf32, #tpu.memory_space<vmem>>) target(%dma_start3A_82 : memref<10240x128xf32, #tpu.memory_space<vmem_shared>>) offsets(%dma_start3A_79 : memref<128xi32, #tpu.memory_space<vmem>>) semaphore(%run_scoped3A_76 : memref<!tpu.dma_semaphore, #tpu.memory_space<semaphore_mem>>) {add = true}
      %dma_wait3A_83 = arith.constant 0 : i32
      %dma_wait3A_84 = tpu.memref_slice %arg8[%run_scoped3A_34, %dma_wait3A_83] : memref<40x128xi32, #tpu.memory_space<vmem>> -> memref<1x128xi32, #tpu.memory_space<vmem>>
      %dma_wait3A_85 = tpu.memref_squeeze %dma_wait3A_84 : memref<1x128xi32, #tpu.memory_space<vmem>> -> memref<128xi32, #tpu.memory_space<vmem>>
      %dma_wait3A_86 = arith.constant 0 : i32
      %dma_wait3A_87 = arith.constant 0 : i32
      %dma_wait3A_88 = tpu.memref_slice %arg11[%dma_wait3A_86, %dma_wait3A_87] : memref<10240x128xf32, #tpu.memory_space<vmem_shared>> -> memref<10240x128xf32, #tpu.memory_space<vmem_shared>>
      tpu.wait_indirect_dma semaphore(%run_scoped3A_76 : memref<!tpu.dma_semaphore, #tpu.memory_space<semaphore_mem>>) src(%arg10 : memref<128x128xf32, #tpu.memory_space<vmem>>) dst(%dma_wait3A_88 : memref<10240x128xf32, #tpu.memory_space<vmem_shared>>)
      tpu.yield
    }) : () -> ()
    %run_scoped3A_35 = arith.constant 1 : i32
    "tpu.region"() ({
      %run_scoped3A_76 = tpu.sem_alloc : memref<!tpu.dma_semaphore, #tpu.memory_space<semaphore_mem>>
      %dma_start3A_77 = arith.constant 0 : i32
      %dma_start3A_78 = arith.constant 0 : i32
      %dma_start3A_79 = tpu.memref_slice %arg3[%add3A, %run_scoped3A_35, %dma_start3A_77, %dma_start3A_78] : memref<32x2x40x128xi32, #tpu.memory_space<hbm>> -> memref<1x1x40x128xi32, #tpu.memory_space<hbm>>
      %dma_start3A_80 = tpu.memref_squeeze %dma_start3A_79 : memref<1x1x40x128xi32, #tpu.memory_space<hbm>> -> memref<40x128xi32, #tpu.memory_space<hbm>>
      %dma_start3A_81 = arith.constant 0 : i32
      %dma_start3A_82 = arith.constant 0 : i32
      %dma_start3A_83 = tpu.memref_slice %arg3[%add3A, %run_scoped3A_35, %dma_start3A_81, %dma_start3A_82] : memref<32x2x40x128xi32, #tpu.memory_space<hbm>> -> memref<1x1x40x128xi32, #tpu.memory_space<hbm>>
      %dma_start3A_84 = tpu.memref_squeeze %dma_start3A_83 : memref<1x1x40x128xi32, #tpu.memory_space<hbm>> -> memref<40x128xi32, #tpu.memory_space<hbm>>
      tpu.enqueue_dma source(%dma_start3A_84 : memref<40x128xi32, #tpu.memory_space<hbm>>) target(%arg7 : memref<40x128xi32, #tpu.memory_space<vmem>>) target_semaphore(%run_scoped3A_76 : memref<!tpu.dma_semaphore, #tpu.memory_space<semaphore_mem>>)
      %dma_wait3A_85 = arith.constant 0 : i32
      %dma_wait3A_86 = arith.constant 0 : i32
      %dma_wait3A_87 = tpu.memref_slice %arg3[%add3A, %run_scoped3A_35, %dma_wait3A_85, %dma_wait3A_86] : memref<32x2x40x128xi32, #tpu.memory_space<hbm>> -> memref<1x1x40x128xi32, #tpu.memory_space<hbm>>
      %dma_wait3A_88 = tpu.memref_squeeze %dma_wait3A_87 : memref<1x1x40x128xi32, #tpu.memory_space<hbm>> -> memref<40x128xi32, #tpu.memory_space<hbm>>
      %dma_wait3A_89 = arith.constant 0 : i32
      %dma_wait3A_90 = arith.constant 0 : i32
      %dma_wait3A_91 = tpu.memref_slice %arg3[%add3A, %run_scoped3A_35, %dma_wait3A_89, %dma_wait3A_90] : memref<32x2x40x128xi32, #tpu.memory_space<hbm>> -> memref<1x1x40x128xi32, #tpu.memory_space<hbm>>
      %dma_wait3A_92 = tpu.memref_squeeze %dma_wait3A_91 : memref<1x1x40x128xi32, #tpu.memory_space<hbm>> -> memref<40x128xi32, #tpu.memory_space<hbm>>
      tpu.wait_dma2 semaphore(%run_scoped3A_76 : memref<!tpu.dma_semaphore, #tpu.memory_space<semaphore_mem>>) src(%dma_wait3A_92 : memref<40x128xi32, #tpu.memory_space<hbm>>) dst(%arg7 : memref<40x128xi32, #tpu.memory_space<vmem>>)
      tpu.yield
    }) : () -> ()
    %run_scoped3A_36 = arith.constant 1 : i32
    "tpu.region"() ({
      %run_scoped3A_76 = tpu.sem_alloc : memref<!tpu.dma_semaphore, #tpu.memory_space<semaphore_mem>>
      %dma_start3A_77 = arith.constant 0 : i32
      %dma_start3A_78 = arith.constant 0 : i32
      %dma_start3A_79 = tpu.memref_slice %arg4[%add3A, %run_scoped3A_36, %dma_start3A_77, %dma_start3A_78] : memref<32x2x40x128xi32, #tpu.memory_space<hbm>> -> memref<1x1x40x128xi32, #tpu.memory_space<hbm>>
      %dma_start3A_80 = tpu.memref_squeeze %dma_start3A_79 : memref<1x1x40x128xi32, #tpu.memory_space<hbm>> -> memref<40x128xi32, #tpu.memory_space<hbm>>
      %dma_start3A_81 = arith.constant 0 : i32
      %dma_start3A_82 = arith.constant 0 : i32
      %dma_start3A_83 = tpu.memref_slice %arg4[%add3A, %run_scoped3A_36, %dma_start3A_81, %dma_start3A_82] : memref<32x2x40x128xi32, #tpu.memory_space<hbm>> -> memref<1x1x40x128xi32, #tpu.memory_space<hbm>>
      %dma_start3A_84 = tpu.memref_squeeze %dma_start3A_83 : memref<1x1x40x128xi32, #tpu.memory_space<hbm>> -> memref<40x128xi32, #tpu.memory_space<hbm>>
      tpu.enqueue_dma source(%dma_start3A_84 : memref<40x128xi32, #tpu.memory_space<hbm>>) target(%arg8 : memref<40x128xi32, #tpu.memory_space<vmem>>) target_semaphore(%run_scoped3A_76 : memref<!tpu.dma_semaphore, #tpu.memory_space<semaphore_mem>>)
      %dma_wait3A_85 = arith.constant 0 : i32
      %dma_wait3A_86 = arith.constant 0 : i32
      %dma_wait3A_87 = tpu.memref_slice %arg4[%add3A, %run_scoped3A_36, %dma_wait3A_85, %dma_wait3A_86] : memref<32x2x40x128xi32, #tpu.memory_space<hbm>> -> memref<1x1x40x128xi32, #tpu.memory_space<hbm>>
      %dma_wait3A_88 = tpu.memref_squeeze %dma_wait3A_87 : memref<1x1x40x128xi32, #tpu.memory_space<hbm>> -> memref<40x128xi32, #tpu.memory_space<hbm>>
      %dma_wait3A_89 = arith.constant 0 : i32
      %dma_wait3A_90 = arith.constant 0 : i32
      %dma_wait3A_91 = tpu.memref_slice %arg4[%add3A, %run_scoped3A_36, %dma_wait3A_89, %dma_wait3A_90] : memref<32x2x40x128xi32, #tpu.memory_space<hbm>> -> memref<1x1x40x128xi32, #tpu.memory_space<hbm>>
      %dma_wait3A_92 = tpu.memref_squeeze %dma_wait3A_91 : memref<1x1x40x128xi32, #tpu.memory_space<hbm>> -> memref<40x128xi32, #tpu.memory_space<hbm>>
      tpu.wait_dma2 semaphore(%run_scoped3A_76 : memref<!tpu.dma_semaphore, #tpu.memory_space<semaphore_mem>>) src(%dma_wait3A_92 : memref<40x128xi32, #tpu.memory_space<hbm>>) dst(%arg8 : memref<40x128xi32, #tpu.memory_space<vmem>>)
      tpu.yield
    }) : () -> ()
    %dma_start3A_37 = arith.constant 0 : i32
    %dma_start3A_38 = arith.constant 0 : i32
    %dma_start3A_39 = tpu.memref_slice %arg7[%dma_start3A_37, %dma_start3A_38] : memref<40x128xi32, #tpu.memory_space<vmem>> -> memref<1x128xi32, #tpu.memory_space<vmem>>
    %dma_start3A_40 = tpu.memref_squeeze %dma_start3A_39 : memref<1x128xi32, #tpu.memory_space<vmem>> -> memref<128xi32, #tpu.memory_space<vmem>>
    %dma_start3A_41 = arith.constant 0 : i32
    %dma_start3A_42 = arith.constant 0 : i32
    %dma_start3A_43 = tpu.memref_slice %arg2[%dma_start3A_41, %dma_start3A_42] : memref<10000x128xf32, #tpu.memory_space<hbm>> -> memref<10000x128xf32, #tpu.memory_space<hbm>>
    tpu.enqueue_indirect_dma source(%dma_start3A_43 : memref<10000x128xf32, #tpu.memory_space<hbm>>) target(%arg9 : memref<128x128xf32, #tpu.memory_space<vmem>>) offsets(%dma_start3A_40 : memref<128xi32, #tpu.memory_space<vmem>>) semaphore(%arg12 : memref<!tpu.dma_semaphore, #tpu.memory_space<semaphore_mem>>)
    %scan3A_44 = arith.constant 0 : i32
    %scan3A_45 = arith.constant 0 : i32
    %scan3A_46 = arith.constant 19 : i32
    %scan3A_47 = arith.addi %scan3A_45, %scan3A_46 : i32
    %scan3A_48 = arith.constant 1 : i32
    scf.for %scan3A_76 = %scan3A_45 to %scan3A_47 step %scan3A_48  : i32 {
      %mul3A_77 = arith.constant 2 : i32
      %mul3A_78 = arith.muli %mul3A_77, %scan3A_76 : i32
      %add3A_79 = arith.constant 1 : i32
      %add3A_80 = arith.addi %mul3A_78, %add3A_79 : i32
      %dma_wait3A_81 = arith.constant 0 : i32
      %dma_wait3A_82 = arith.constant 0 : i32
      %dma_wait3A_83 = tpu.memref_slice %arg2[%dma_wait3A_81, %dma_wait3A_82] : memref<10000x128xf32, #tpu.memory_space<hbm>> -> memref<128x128xf32, #tpu.memory_space<hbm>>
      %dma_wait3A_84 = arith.constant 0 : i32
      %dma_wait3A_85 = arith.constant 0 : i32
      %dma_wait3A_86 = tpu.memref_slice %arg2[%dma_wait3A_84, %dma_wait3A_85] : memref<10000x128xf32, #tpu.memory_space<hbm>> -> memref<128x128xf32, #tpu.memory_space<hbm>>
      tpu.wait_dma2 semaphore(%arg12 : memref<!tpu.dma_semaphore, #tpu.memory_space<semaphore_mem>>) src(%dma_wait3A_86 : memref<128x128xf32, #tpu.memory_space<hbm>>) dst(%arg9 : memref<128x128xf32, #tpu.memory_space<vmem>>)
      %dma_start3A_87 = arith.constant 0 : i32
      %dma_start3A_88 = tpu.memref_slice %arg7[%add3A_80, %dma_start3A_87] : memref<40x128xi32, #tpu.memory_space<vmem>> -> memref<1x128xi32, #tpu.memory_space<vmem>>
      %dma_start3A_89 = tpu.memref_squeeze %dma_start3A_88 : memref<1x128xi32, #tpu.memory_space<vmem>> -> memref<128xi32, #tpu.memory_space<vmem>>
      %dma_start3A_90 = arith.constant 0 : i32
      %dma_start3A_91 = arith.constant 0 : i32
      %dma_start3A_92 = tpu.memref_slice %arg2[%dma_start3A_90, %dma_start3A_91] : memref<10000x128xf32, #tpu.memory_space<hbm>> -> memref<10000x128xf32, #tpu.memory_space<hbm>>
      tpu.enqueue_indirect_dma source(%dma_start3A_92 : memref<10000x128xf32, #tpu.memory_space<hbm>>) target(%arg10 : memref<128x128xf32, #tpu.memory_space<vmem>>) offsets(%dma_start3A_89 : memref<128xi32, #tpu.memory_space<vmem>>) semaphore(%arg12 : memref<!tpu.dma_semaphore, #tpu.memory_space<semaphore_mem>>)
      "tpu.region"() ({
        %run_scoped3A_107 = tpu.sem_alloc : memref<!tpu.dma_semaphore, #tpu.memory_space<semaphore_mem>>
        %dma_start3A_108 = arith.constant 0 : i32
        %dma_start3A_109 = tpu.memref_slice %arg8[%mul3A_78, %dma_start3A_108] : memref<40x128xi32, #tpu.memory_space<vmem>> -> memref<1x128xi32, #tpu.memory_space<vmem>>
        %dma_start3A_110 = tpu.memref_squeeze %dma_start3A_109 : memref<1x128xi32, #tpu.memory_space<vmem>> -> memref<128xi32, #tpu.memory_space<vmem>>
        %dma_start3A_111 = arith.constant 0 : i32
        %dma_start3A_112 = arith.constant 0 : i32
        %dma_start3A_113 = tpu.memref_slice %arg11[%dma_start3A_111, %dma_start3A_112] : memref<10240x128xf32, #tpu.memory_space<vmem_shared>> -> memref<10240x128xf32, #tpu.memory_space<vmem_shared>>
        tpu.enqueue_indirect_dma source(%arg9 : memref<128x128xf32, #tpu.memory_space<vmem>>) target(%dma_start3A_113 : memref<10240x128xf32, #tpu.memory_space<vmem_shared>>) offsets(%dma_start3A_110 : memref<128xi32, #tpu.memory_space<vmem>>) semaphore(%run_scoped3A_107 : memref<!tpu.dma_semaphore, #tpu.memory_space<semaphore_mem>>) {add = true}
        %dma_wait3A_114 = arith.constant 0 : i32
        %dma_wait3A_115 = tpu.memref_slice %arg8[%mul3A_78, %dma_wait3A_114] : memref<40x128xi32, #tpu.memory_space<vmem>> -> memref<1x128xi32, #tpu.memory_space<vmem>>
        %dma_wait3A_116 = tpu.memref_squeeze %dma_wait3A_115 : memref<1x128xi32, #tpu.memory_space<vmem>> -> memref<128xi32, #tpu.memory_space<vmem>>
        %dma_wait3A_117 = arith.constant 0 : i32
        %dma_wait3A_118 = arith.constant 0 : i32
        %dma_wait3A_119 = tpu.memref_slice %arg11[%dma_wait3A_117, %dma_wait3A_118] : memref<10240x128xf32, #tpu.memory_space<vmem_shared>> -> memref<10240x128xf32, #tpu.memory_space<vmem_shared>>
        tpu.wait_indirect_dma semaphore(%run_scoped3A_107 : memref<!tpu.dma_semaphore, #tpu.memory_space<semaphore_mem>>) src(%arg9 : memref<128x128xf32, #tpu.memory_space<vmem>>) dst(%dma_wait3A_119 : memref<10240x128xf32, #tpu.memory_space<vmem_shared>>)
        tpu.yield
      }) : () -> ()
      %dma_wait3A_93 = arith.constant 0 : i32
      %dma_wait3A_94 = arith.constant 0 : i32
      %dma_wait3A_95 = tpu.memref_slice %arg2[%dma_wait3A_93, %dma_wait3A_94] : memref<10000x128xf32, #tpu.memory_space<hbm>> -> memref<128x128xf32, #tpu.memory_space<hbm>>
      %dma_wait3A_96 = arith.constant 0 : i32
      %dma_wait3A_97 = arith.constant 0 : i32
      %dma_wait3A_98 = tpu.memref_slice %arg2[%dma_wait3A_96, %dma_wait3A_97] : memref<10000x128xf32, #tpu.memory_space<hbm>> -> memref<128x128xf32, #tpu.memory_space<hbm>>
      tpu.wait_dma2 semaphore(%arg12 : memref<!tpu.dma_semaphore, #tpu.memory_space<semaphore_mem>>) src(%dma_wait3A_98 : memref<128x128xf32, #tpu.memory_space<hbm>>) dst(%arg10 : memref<128x128xf32, #tpu.memory_space<vmem>>)
      %add3A_99 = arith.constant 2 : i32
      %add3A_100 = arith.addi %mul3A_78, %add3A_99 : i32
      %dma_start3A_101 = arith.constant 0 : i32
      %dma_start3A_102 = tpu.memref_slice %arg7[%add3A_100, %dma_start3A_101] : memref<40x128xi32, #tpu.memory_space<vmem>> -> memref<1x128xi32, #tpu.memory_space<vmem>>
      %dma_start3A_103 = tpu.memref_squeeze %dma_start3A_102 : memref<1x128xi32, #tpu.memory_space<vmem>> -> memref<128xi32, #tpu.memory_space<vmem>>
      %dma_start3A_104 = arith.constant 0 : i32
      %dma_start3A_105 = arith.constant 0 : i32
      %dma_start3A_106 = tpu.memref_slice %arg2[%dma_start3A_104, %dma_start3A_105] : memref<10000x128xf32, #tpu.memory_space<hbm>> -> memref<10000x128xf32, #tpu.memory_space<hbm>>
      tpu.enqueue_indirect_dma source(%dma_start3A_106 : memref<10000x128xf32, #tpu.memory_space<hbm>>) target(%arg9 : memref<128x128xf32, #tpu.memory_space<vmem>>) offsets(%dma_start3A_103 : memref<128xi32, #tpu.memory_space<vmem>>) semaphore(%arg12 : memref<!tpu.dma_semaphore, #tpu.memory_space<semaphore_mem>>)
      "tpu.region"() ({
        %run_scoped3A_107 = tpu.sem_alloc : memref<!tpu.dma_semaphore, #tpu.memory_space<semaphore_mem>>
        %dma_start3A_108 = arith.constant 0 : i32
        %dma_start3A_109 = tpu.memref_slice %arg8[%add3A_80, %dma_start3A_108] : memref<40x128xi32, #tpu.memory_space<vmem>> -> memref<1x128xi32, #tpu.memory_space<vmem>>
        %dma_start3A_110 = tpu.memref_squeeze %dma_start3A_109 : memref<1x128xi32, #tpu.memory_space<vmem>> -> memref<128xi32, #tpu.memory_space<vmem>>
        %dma_start3A_111 = arith.constant 0 : i32
        %dma_start3A_112 = arith.constant 0 : i32
        %dma_start3A_113 = tpu.memref_slice %arg11[%dma_start3A_111, %dma_start3A_112] : memref<10240x128xf32, #tpu.memory_space<vmem_shared>> -> memref<10240x128xf32, #tpu.memory_space<vmem_shared>>
        tpu.enqueue_indirect_dma source(%arg10 : memref<128x128xf32, #tpu.memory_space<vmem>>) target(%dma_start3A_113 : memref<10240x128xf32, #tpu.memory_space<vmem_shared>>) offsets(%dma_start3A_110 : memref<128xi32, #tpu.memory_space<vmem>>) semaphore(%run_scoped3A_107 : memref<!tpu.dma_semaphore, #tpu.memory_space<semaphore_mem>>) {add = true}
        %dma_wait3A_114 = arith.constant 0 : i32
        %dma_wait3A_115 = tpu.memref_slice %arg8[%add3A_80, %dma_wait3A_114] : memref<40x128xi32, #tpu.memory_space<vmem>> -> memref<1x128xi32, #tpu.memory_space<vmem>>
        %dma_wait3A_116 = tpu.memref_squeeze %dma_wait3A_115 : memref<1x128xi32, #tpu.memory_space<vmem>> -> memref<128xi32, #tpu.memory_space<vmem>>
        %dma_wait3A_117 = arith.constant 0 : i32
        %dma_wait3A_118 = arith.constant 0 : i32
        %dma_wait3A_119 = tpu.memref_slice %arg11[%dma_wait3A_117, %dma_wait3A_118] : memref<10240x128xf32, #tpu.memory_space<vmem_shared>> -> memref<10240x128xf32, #tpu.memory_space<vmem_shared>>
        tpu.wait_indirect_dma semaphore(%run_scoped3A_107 : memref<!tpu.dma_semaphore, #tpu.memory_space<semaphore_mem>>) src(%arg10 : memref<128x128xf32, #tpu.memory_space<vmem>>) dst(%dma_wait3A_119 : memref<10240x128xf32, #tpu.memory_space<vmem_shared>>)
        tpu.yield
      }) : () -> ()
    }
    %scan3A_49 = arith.constant 19 : i32
    %dma_wait3A_50 = arith.constant 0 : i32
    %dma_wait3A_51 = arith.constant 0 : i32
    %dma_wait3A_52 = tpu.memref_slice %arg2[%dma_wait3A_50, %dma_wait3A_51] : memref<10000x128xf32, #tpu.memory_space<hbm>> -> memref<128x128xf32, #tpu.memory_space<hbm>>
    %dma_wait3A_53 = arith.constant 0 : i32
    %dma_wait3A_54 = arith.constant 0 : i32
    %dma_wait3A_55 = tpu.memref_slice %arg2[%dma_wait3A_53, %dma_wait3A_54] : memref<10000x128xf32, #tpu.memory_space<hbm>> -> memref<128x128xf32, #tpu.memory_space<hbm>>
    tpu.wait_dma2 semaphore(%arg12 : memref<!tpu.dma_semaphore, #tpu.memory_space<semaphore_mem>>) src(%dma_wait3A_55 : memref<128x128xf32, #tpu.memory_space<hbm>>) dst(%arg9 : memref<128x128xf32, #tpu.memory_space<vmem>>)
    %dma_start3A_56 = arith.constant 39 : i32
    %dma_start3A_57 = arith.constant 0 : i32
    %dma_start3A_58 = tpu.memref_slice %arg7[%dma_start3A_56, %dma_start3A_57] : memref<40x128xi32, #tpu.memory_space<vmem>> -> memref<1x128xi32, #tpu.memory_space<vmem>>
    %dma_start3A_59 = tpu.memref_squeeze %dma_start3A_58 : memref<1x128xi32, #tpu.memory_space<vmem>> -> memref<128xi32, #tpu.memory_space<vmem>>
    %dma_start3A_60 = arith.constant 0 : i32
    %dma_start3A_61 = arith.constant 0 : i32
    %dma_start3A_62 = tpu.memref_slice %arg2[%dma_start3A_60, %dma_start3A_61] : memref<10000x128xf32, #tpu.memory_space<hbm>> -> memref<10000x128xf32, #tpu.memory_space<hbm>>
    tpu.enqueue_indirect_dma source(%dma_start3A_62 : memref<10000x128xf32, #tpu.memory_space<hbm>>) target(%arg10 : memref<128x128xf32, #tpu.memory_space<vmem>>) offsets(%dma_start3A_59 : memref<128xi32, #tpu.memory_space<vmem>>) semaphore(%arg12 : memref<!tpu.dma_semaphore, #tpu.memory_space<semaphore_mem>>)
    %run_scoped3A_63 = arith.constant 38 : i32
    "tpu.region"() ({
      %run_scoped3A_76 = tpu.sem_alloc : memref<!tpu.dma_semaphore, #tpu.memory_space<semaphore_mem>>
      %dma_start3A_77 = arith.constant 0 : i32
      %dma_start3A_78 = tpu.memref_slice %arg8[%run_scoped3A_63, %dma_start3A_77] : memref<40x128xi32, #tpu.memory_space<vmem>> -> memref<1x128xi32, #tpu.memory_space<vmem>>
      %dma_start3A_79 = tpu.memref_squeeze %dma_start3A_78 : memref<1x128xi32, #tpu.memory_space<vmem>> -> memref<128xi32, #tpu.memory_space<vmem>>
      %dma_start3A_80 = arith.constant 0 : i32
      %dma_start3A_81 = arith.constant 0 : i32
      %dma_start3A_82 = tpu.memref_slice %arg11[%dma_start3A_80, %dma_start3A_81] : memref<10240x128xf32, #tpu.memory_space<vmem_shared>> -> memref<10240x128xf32, #tpu.memory_space<vmem_shared>>
      tpu.enqueue_indirect_dma source(%arg9 : memref<128x128xf32, #tpu.memory_space<vmem>>) target(%dma_start3A_82 : memref<10240x128xf32, #tpu.memory_space<vmem_shared>>) offsets(%dma_start3A_79 : memref<128xi32, #tpu.memory_space<vmem>>) semaphore(%run_scoped3A_76 : memref<!tpu.dma_semaphore, #tpu.memory_space<semaphore_mem>>) {add = true}
      %dma_wait3A_83 = arith.constant 0 : i32
      %dma_wait3A_84 = tpu.memref_slice %arg8[%run_scoped3A_63, %dma_wait3A_83] : memref<40x128xi32, #tpu.memory_space<vmem>> -> memref<1x128xi32, #tpu.memory_space<vmem>>
      %dma_wait3A_85 = tpu.memref_squeeze %dma_wait3A_84 : memref<1x128xi32, #tpu.memory_space<vmem>> -> memref<128xi32, #tpu.memory_space<vmem>>
      %dma_wait3A_86 = arith.constant 0 : i32
      %dma_wait3A_87 = arith.constant 0 : i32
      %dma_wait3A_88 = tpu.memref_slice %arg11[%dma_wait3A_86, %dma_wait3A_87] : memref<10240x128xf32, #tpu.memory_space<vmem_shared>> -> memref<10240x128xf32, #tpu.memory_space<vmem_shared>>
      tpu.wait_indirect_dma semaphore(%run_scoped3A_76 : memref<!tpu.dma_semaphore, #tpu.memory_space<semaphore_mem>>) src(%arg9 : memref<128x128xf32, #tpu.memory_space<vmem>>) dst(%dma_wait3A_88 : memref<10240x128xf32, #tpu.memory_space<vmem_shared>>)
      tpu.yield
    }) : () -> ()
    %dma_wait3A_64 = arith.constant 0 : i32
    %dma_wait3A_65 = arith.constant 0 : i32
    %dma_wait3A_66 = tpu.memref_slice %arg2[%dma_wait3A_64, %dma_wait3A_65] : memref<10000x128xf32, #tpu.memory_space<hbm>> -> memref<128x128xf32, #tpu.memory_space<hbm>>
    %dma_wait3A_67 = arith.constant 0 : i32
    %dma_wait3A_68 = arith.constant 0 : i32
    %dma_wait3A_69 = tpu.memref_slice %arg2[%dma_wait3A_67, %dma_wait3A_68] : memref<10000x128xf32, #tpu.memory_space<hbm>> -> memref<128x128xf32, #tpu.memory_space<hbm>>
    tpu.wait_dma2 semaphore(%arg12 : memref<!tpu.dma_semaphore, #tpu.memory_space<semaphore_mem>>) src(%dma_wait3A_69 : memref<128x128xf32, #tpu.memory_space<hbm>>) dst(%arg10 : memref<128x128xf32, #tpu.memory_space<vmem>>)
    %run_scoped3A_70 = arith.constant 39 : i32
    "tpu.region"() ({
      %run_scoped3A_76 = tpu.sem_alloc : memref<!tpu.dma_semaphore, #tpu.memory_space<semaphore_mem>>
      %dma_start3A_77 = arith.constant 0 : i32
      %dma_start3A_78 = tpu.memref_slice %arg8[%run_scoped3A_70, %dma_start3A_77] : memref<40x128xi32, #tpu.memory_space<vmem>> -> memref<1x128xi32, #tpu.memory_space<vmem>>
      %dma_start3A_79 = tpu.memref_squeeze %dma_start3A_78 : memref<1x128xi32, #tpu.memory_space<vmem>> -> memref<128xi32, #tpu.memory_space<vmem>>
      %dma_start3A_80 = arith.constant 0 : i32
      %dma_start3A_81 = arith.constant 0 : i32
      %dma_start3A_82 = tpu.memref_slice %arg11[%dma_start3A_80, %dma_start3A_81] : memref<10240x128xf32, #tpu.memory_space<vmem_shared>> -> memref<10240x128xf32, #tpu.memory_space<vmem_shared>>
      tpu.enqueue_indirect_dma source(%arg10 : memref<128x128xf32, #tpu.memory_space<vmem>>) target(%dma_start3A_82 : memref<10240x128xf32, #tpu.memory_space<vmem_shared>>) offsets(%dma_start3A_79 : memref<128xi32, #tpu.memory_space<vmem>>) semaphore(%run_scoped3A_76 : memref<!tpu.dma_semaphore, #tpu.memory_space<semaphore_mem>>) {add = true}
      %dma_wait3A_83 = arith.constant 0 : i32
      %dma_wait3A_84 = tpu.memref_slice %arg8[%run_scoped3A_70, %dma_wait3A_83] : memref<40x128xi32, #tpu.memory_space<vmem>> -> memref<1x128xi32, #tpu.memory_space<vmem>>
      %dma_wait3A_85 = tpu.memref_squeeze %dma_wait3A_84 : memref<1x128xi32, #tpu.memory_space<vmem>> -> memref<128xi32, #tpu.memory_space<vmem>>
      %dma_wait3A_86 = arith.constant 0 : i32
      %dma_wait3A_87 = arith.constant 0 : i32
      %dma_wait3A_88 = tpu.memref_slice %arg11[%dma_wait3A_86, %dma_wait3A_87] : memref<10240x128xf32, #tpu.memory_space<vmem_shared>> -> memref<10240x128xf32, #tpu.memory_space<vmem_shared>>
      tpu.wait_indirect_dma semaphore(%run_scoped3A_76 : memref<!tpu.dma_semaphore, #tpu.memory_space<semaphore_mem>>) src(%arg10 : memref<128x128xf32, #tpu.memory_space<vmem>>) dst(%dma_wait3A_88 : memref<10240x128xf32, #tpu.memory_space<vmem_shared>>)
      tpu.yield
    }) : () -> ()
    %barrier3A_71 = arith.constant 0 : index
    tpu.barrier barrier_id(%barrier3A_71)
    %mul3A_72 = arith.constant 640 : i32
    %mul3A_73 = arith.muli %arg1, %mul3A_72 : i32
    %mul3A_74 = arith.constant 640 : i32
    %mul3A_75 = arith.muli %arg1, %mul3A_74 : i32
    "tpu.region"() ({
      %run_scoped3A_76 = tpu.sem_alloc : memref<!tpu.dma_semaphore, #tpu.memory_space<semaphore_mem>>
      %dma_start3A_77 = arith.constant 0 : i32
      %dma_start3A_78 = tpu.memref_slice %arg6[%arg0, %mul3A_75, %dma_start3A_77] : memref<2x10240x128xf32, #tpu.memory_space<hbm>> -> memref<1x640x128xf32, #tpu.memory_space<hbm>>
      %dma_start3A_79 = tpu.memref_squeeze %dma_start3A_78 : memref<1x640x128xf32, #tpu.memory_space<hbm>> -> memref<640x128xf32, #tpu.memory_space<hbm>>
      %dma_start3A_80 = arith.constant 0 : i32
      %dma_start3A_81 = tpu.memref_slice %arg11[%mul3A_73, %dma_start3A_80] : memref<10240x128xf32, #tpu.memory_space<vmem_shared>> -> memref<640x128xf32, #tpu.memory_space<vmem_shared>>
      tpu.enqueue_dma source(%dma_start3A_81 : memref<640x128xf32, #tpu.memory_space<vmem_shared>>) target(%dma_start3A_79 : memref<640x128xf32, #tpu.memory_space<hbm>>) target_semaphore(%run_scoped3A_76 : memref<!tpu.dma_semaphore, #tpu.memory_space<semaphore_mem>>)
      %dma_wait3A_82 = arith.constant 0 : i32
      %dma_wait3A_83 = tpu.memref_slice %arg6[%arg0, %mul3A_75, %dma_wait3A_82] : memref<2x10240x128xf32, #tpu.memory_space<hbm>> -> memref<1x640x128xf32, #tpu.memory_space<hbm>>
      %dma_wait3A_84 = tpu.memref_squeeze %dma_wait3A_83 : memref<1x640x128xf32, #tpu.memory_space<hbm>> -> memref<640x128xf32, #tpu.memory_space<hbm>>
      %dma_wait3A_85 = arith.constant 0 : i32
      %dma_wait3A_86 = tpu.memref_slice %arg11[%mul3A_73, %dma_wait3A_85] : memref<10240x128xf32, #tpu.memory_space<vmem_shared>> -> memref<640x128xf32, #tpu.memory_space<vmem_shared>>
      tpu.wait_dma2 semaphore(%run_scoped3A_76 : memref<!tpu.dma_semaphore, #tpu.memory_space<semaphore_mem>>) src(%dma_wait3A_86 : memref<640x128xf32, #tpu.memory_space<vmem_shared>>) dst(%dma_wait3A_84 : memref<640x128xf32, #tpu.memory_space<hbm>>)
      tpu.yield
    }) : () -> ()
    return
  }
}

#map = affine_map<(d0, d1) -> (0, 0, 0)>
#map1 = affine_map<(d0, d1) -> (0)>
#map2 = affine_map<(d0, d1) -> (0, 0)>
module attributes {stable_mosaic.version = 14 : i64} {
  func.func @_deg_kernel(%arg0: i32, %arg1: i32, %arg2: memref<32x80x128xi32, #tpu.memory_space<hbm>>, %arg3: memref<640xf32, #tpu.memory_space<hbm>>, %arg4: memref<2x10240xf32, #tpu.memory_space<hbm>>, %arg5: memref<80x128xi32, #tpu.memory_space<vmem>>, %arg6: memref<128xf32, #tpu.memory_space<vmem>>, %arg7: memref<10240xf32, #tpu.memory_space<vmem_shared>>) attributes {dimension_semantics = [#tpu.dimension_semantics<core_parallel>, #tpu.dimension_semantics<subcore_parallel>], iteration_bounds = array<i64: 2, 16>, scalar_prefetch = 0 : i64, scratch_operands = 3 : i64, tpu.core_type = #tpu.core_type<sc_vector_subcore>, window_params = [{transform_indices = #map}, {transform_indices = #map1}, {transform_indices = #map2}]} {
    %mul3A = arith.constant 2 : i32
    %mul3A_0 = arith.muli %arg1, %mul3A : i32
    %add3A = arith.addi %mul3A_0, %arg0 : i32
    "tpu.region"() ({
      %run_scoped3A = tpu.sem_alloc : memref<!tpu.dma_semaphore, #tpu.memory_space<semaphore_mem>>
      %dma_start3A = arith.constant 0 : i32
      %dma_start3A_59 = arith.constant 0 : i32
      %dma_start3A_60 = tpu.memref_slice %arg2[%add3A, %dma_start3A, %dma_start3A_59] : memref<32x80x128xi32, #tpu.memory_space<hbm>> -> memref<1x80x128xi32, #tpu.memory_space<hbm>>
      %dma_start3A_61 = tpu.memref_squeeze %dma_start3A_60 : memref<1x80x128xi32, #tpu.memory_space<hbm>> -> memref<80x128xi32, #tpu.memory_space<hbm>>
      %dma_start3A_62 = arith.constant 0 : i32
      %dma_start3A_63 = arith.constant 0 : i32
      %dma_start3A_64 = tpu.memref_slice %arg2[%add3A, %dma_start3A_62, %dma_start3A_63] : memref<32x80x128xi32, #tpu.memory_space<hbm>> -> memref<1x80x128xi32, #tpu.memory_space<hbm>>
      %dma_start3A_65 = tpu.memref_squeeze %dma_start3A_64 : memref<1x80x128xi32, #tpu.memory_space<hbm>> -> memref<80x128xi32, #tpu.memory_space<hbm>>
      tpu.enqueue_dma source(%dma_start3A_65 : memref<80x128xi32, #tpu.memory_space<hbm>>) target(%arg5 : memref<80x128xi32, #tpu.memory_space<vmem>>) target_semaphore(%run_scoped3A : memref<!tpu.dma_semaphore, #tpu.memory_space<semaphore_mem>>)
      %dma_wait3A = arith.constant 0 : i32
      %dma_wait3A_66 = arith.constant 0 : i32
      %dma_wait3A_67 = tpu.memref_slice %arg2[%add3A, %dma_wait3A, %dma_wait3A_66] : memref<32x80x128xi32, #tpu.memory_space<hbm>> -> memref<1x80x128xi32, #tpu.memory_space<hbm>>
      %dma_wait3A_68 = tpu.memref_squeeze %dma_wait3A_67 : memref<1x80x128xi32, #tpu.memory_space<hbm>> -> memref<80x128xi32, #tpu.memory_space<hbm>>
      %dma_wait3A_69 = arith.constant 0 : i32
      %dma_wait3A_70 = arith.constant 0 : i32
      %dma_wait3A_71 = tpu.memref_slice %arg2[%add3A, %dma_wait3A_69, %dma_wait3A_70] : memref<32x80x128xi32, #tpu.memory_space<hbm>> -> memref<1x80x128xi32, #tpu.memory_space<hbm>>
      %dma_wait3A_72 = tpu.memref_squeeze %dma_wait3A_71 : memref<1x80x128xi32, #tpu.memory_space<hbm>> -> memref<80x128xi32, #tpu.memory_space<hbm>>
      tpu.wait_dma2 semaphore(%run_scoped3A : memref<!tpu.dma_semaphore, #tpu.memory_space<semaphore_mem>>) src(%dma_wait3A_72 : memref<80x128xi32, #tpu.memory_space<hbm>>) dst(%arg5 : memref<80x128xi32, #tpu.memory_space<vmem>>)
      tpu.yield
    }) : () -> ()
    %broadcast_in_dim3A = arith.constant 1.000000e+00 : f32
    %broadcast_in_dim3A_1 = vector.broadcast %broadcast_in_dim3A : f32 to vector<16xf32>
    %swap3A = arith.constant 0 : index
    %swap3A_2 = tpu.vector_load %arg6[%swap3A] {strides = array<i32>} : memref<128xf32, #tpu.memory_space<vmem>>, vector<16xf32>,
    %swap3A_3 = vector.shape_cast %swap3A_2 : vector<16xf32> to vector<16xf32>
    %swap3A_4 = vector.shape_cast %broadcast_in_dim3A_1 : vector<16xf32> to vector<16xf32>
    tpu.vector_store %arg6[%swap3A], %swap3A_4 {strides = array<i32>} : memref<128xf32, #tpu.memory_space<vmem>>, vector<16xf32>,
    %broadcast_in_dim3A_5 = arith.constant 1.000000e+00 : f32
    %broadcast_in_dim3A_6 = vector.broadcast %broadcast_in_dim3A_5 : f32 to vector<16xf32>
    %swap3A_7 = arith.constant 16 : index
    %swap3A_8 = tpu.vector_load %arg6[%swap3A_7] {strides = array<i32>} : memref<128xf32, #tpu.memory_space<vmem>>, vector<16xf32>,
    %swap3A_9 = vector.shape_cast %swap3A_8 : vector<16xf32> to vector<16xf32>
    %swap3A_10 = vector.shape_cast %broadcast_in_dim3A_6 : vector<16xf32> to vector<16xf32>
    tpu.vector_store %arg6[%swap3A_7], %swap3A_10 {strides = array<i32>} : memref<128xf32, #tpu.memory_space<vmem>>, vector<16xf32>,
    %broadcast_in_dim3A_11 = arith.constant 1.000000e+00 : f32
    %broadcast_in_dim3A_12 = vector.broadcast %broadcast_in_dim3A_11 : f32 to vector<16xf32>
    %swap3A_13 = arith.constant 32 : index
    %swap3A_14 = tpu.vector_load %arg6[%swap3A_13] {strides = array<i32>} : memref<128xf32, #tpu.memory_space<vmem>>, vector<16xf32>,
    %swap3A_15 = vector.shape_cast %swap3A_14 : vector<16xf32> to vector<16xf32>
    %swap3A_16 = vector.shape_cast %broadcast_in_dim3A_12 : vector<16xf32> to vector<16xf32>
    tpu.vector_store %arg6[%swap3A_13], %swap3A_16 {strides = array<i32>} : memref<128xf32, #tpu.memory_space<vmem>>, vector<16xf32>,
    %broadcast_in_dim3A_17 = arith.constant 1.000000e+00 : f32
    %broadcast_in_dim3A_18 = vector.broadcast %broadcast_in_dim3A_17 : f32 to vector<16xf32>
    %swap3A_19 = arith.constant 48 : index
    %swap3A_20 = tpu.vector_load %arg6[%swap3A_19] {strides = array<i32>} : memref<128xf32, #tpu.memory_space<vmem>>, vector<16xf32>,
    %swap3A_21 = vector.shape_cast %swap3A_20 : vector<16xf32> to vector<16xf32>
    %swap3A_22 = vector.shape_cast %broadcast_in_dim3A_18 : vector<16xf32> to vector<16xf32>
    tpu.vector_store %arg6[%swap3A_19], %swap3A_22 {strides = array<i32>} : memref<128xf32, #tpu.memory_space<vmem>>, vector<16xf32>,
    %broadcast_in_dim3A_23 = arith.constant 1.000000e+00 : f32
    %broadcast_in_dim3A_24 = vector.broadcast %broadcast_in_dim3A_23 : f32 to vector<16xf32>
    %swap3A_25 = arith.constant 64 : index
    %swap3A_26 = tpu.vector_load %arg6[%swap3A_25] {strides = array<i32>} : memref<128xf32, #tpu.memory_space<vmem>>, vector<16xf32>,
    %swap3A_27 = vector.shape_cast %swap3A_26 : vector<16xf32> to vector<16xf32>
    %swap3A_28 = vector.shape_cast %broadcast_in_dim3A_24 : vector<16xf32> to vector<16xf32>
    tpu.vector_store %arg6[%swap3A_25], %swap3A_28 {strides = array<i32>} : memref<128xf32, #tpu.memory_space<vmem>>, vector<16xf32>,
    %broadcast_in_dim3A_29 = arith.constant 1.000000e+00 : f32
    %broadcast_in_dim3A_30 = vector.broadcast %broadcast_in_dim3A_29 : f32 to vector<16xf32>
    %swap3A_31 = arith.constant 80 : index
    %swap3A_32 = tpu.vector_load %arg6[%swap3A_31] {strides = array<i32>} : memref<128xf32, #tpu.memory_space<vmem>>, vector<16xf32>,
    %swap3A_33 = vector.shape_cast %swap3A_32 : vector<16xf32> to vector<16xf32>
    %swap3A_34 = vector.shape_cast %broadcast_in_dim3A_30 : vector<16xf32> to vector<16xf32>
    tpu.vector_store %arg6[%swap3A_31], %swap3A_34 {strides = array<i32>} : memref<128xf32, #tpu.memory_space<vmem>>, vector<16xf32>,
    %broadcast_in_dim3A_35 = arith.constant 1.000000e+00 : f32
    %broadcast_in_dim3A_36 = vector.broadcast %broadcast_in_dim3A_35 : f32 to vector<16xf32>
    %swap3A_37 = arith.constant 96 : index
    %swap3A_38 = tpu.vector_load %arg6[%swap3A_37] {strides = array<i32>} : memref<128xf32, #tpu.memory_space<vmem>>, vector<16xf32>,
    %swap3A_39 = vector.shape_cast %swap3A_38 : vector<16xf32> to vector<16xf32>
    %swap3A_40 = vector.shape_cast %broadcast_in_dim3A_36 : vector<16xf32> to vector<16xf32>
    tpu.vector_store %arg6[%swap3A_37], %swap3A_40 {strides = array<i32>} : memref<128xf32, #tpu.memory_space<vmem>>, vector<16xf32>,
    %broadcast_in_dim3A_41 = arith.constant 1.000000e+00 : f32
    %broadcast_in_dim3A_42 = vector.broadcast %broadcast_in_dim3A_41 : f32 to vector<16xf32>
    %swap3A_43 = arith.constant 112 : index
    %swap3A_44 = tpu.vector_load %arg6[%swap3A_43] {strides = array<i32>} : memref<128xf32, #tpu.memory_space<vmem>>, vector<16xf32>,
    %swap3A_45 = vector.shape_cast %swap3A_44 : vector<16xf32> to vector<16xf32>
    %swap3A_46 = vector.shape_cast %broadcast_in_dim3A_42 : vector<16xf32> to vector<16xf32>
    tpu.vector_store %arg6[%swap3A_43], %swap3A_46 {strides = array<i32>} : memref<128xf32, #tpu.memory_space<vmem>>, vector<16xf32>,
    %mul3A_47 = arith.constant 640 : i32
    %mul3A_48 = arith.muli %arg1, %mul3A_47 : i32
    "tpu.region"() ({
      %run_scoped3A = tpu.sem_alloc : memref<!tpu.dma_semaphore, #tpu.memory_space<semaphore_mem>>
      %dma_start3A = tpu.memref_slice %arg7[%mul3A_48] : memref<10240xf32, #tpu.memory_space<vmem_shared>> -> memref<640xf32, #tpu.memory_space<vmem_shared>>
      tpu.enqueue_dma source(%arg3 : memref<640xf32, #tpu.memory_space<hbm>>) target(%dma_start3A : memref<640xf32, #tpu.memory_space<vmem_shared>>) target_semaphore(%run_scoped3A : memref<!tpu.dma_semaphore, #tpu.memory_space<semaphore_mem>>)
      %dma_wait3A = tpu.memref_slice %arg7[%mul3A_48] : memref<10240xf32, #tpu.memory_space<vmem_shared>> -> memref<640xf32, #tpu.memory_space<vmem_shared>>
      tpu.wait_dma2 semaphore(%run_scoped3A : memref<!tpu.dma_semaphore, #tpu.memory_space<semaphore_mem>>) src(%arg3 : memref<640xf32, #tpu.memory_space<hbm>>) dst(%dma_wait3A : memref<640xf32, #tpu.memory_space<vmem_shared>>)
      tpu.yield
    }) : () -> ()
    %barrier3A = arith.constant 0 : index
    tpu.barrier barrier_id(%barrier3A)
    %scan3A = arith.constant 0 : i32
    %scan3A_49 = arith.constant 0 : i32
    %scan3A_50 = arith.constant 80 : i32
    %scan3A_51 = arith.addi %scan3A_49, %scan3A_50 : i32
    %scan3A_52 = arith.constant 1 : i32
    scf.for %scan3A_59 = %scan3A_49 to %scan3A_51 step %scan3A_52  : i32 {
      "tpu.region"() ({
        %run_scoped3A = tpu.sem_alloc : memref<!tpu.dma_semaphore, #tpu.memory_space<semaphore_mem>>
        %dma_start3A = arith.constant 0 : i32
        %dma_start3A_60 = tpu.memref_slice %arg5[%scan3A_59, %dma_start3A] : memref<80x128xi32, #tpu.memory_space<vmem>> -> memref<1x128xi32, #tpu.memory_space<vmem>>
        %dma_start3A_61 = tpu.memref_squeeze %dma_start3A_60 : memref<1x128xi32, #tpu.memory_space<vmem>> -> memref<128xi32, #tpu.memory_space<vmem>>
        %dma_start3A_62 = arith.constant 0 : i32
        %dma_start3A_63 = tpu.memref_slice %arg7[%dma_start3A_62] : memref<10240xf32, #tpu.memory_space<vmem_shared>> -> memref<10240xf32, #tpu.memory_space<vmem_shared>>
        tpu.enqueue_indirect_dma source(%arg6 : memref<128xf32, #tpu.memory_space<vmem>>) target(%dma_start3A_63 : memref<10240xf32, #tpu.memory_space<vmem_shared>>) offsets(%dma_start3A_61 : memref<128xi32, #tpu.memory_space<vmem>>) semaphore(%run_scoped3A : memref<!tpu.dma_semaphore, #tpu.memory_space<semaphore_mem>>) {add = true}
        %dma_wait3A = arith.constant 0 : i32
        %dma_wait3A_64 = tpu.memref_slice %arg5[%scan3A_59, %dma_wait3A] : memref<80x128xi32, #tpu.memory_space<vmem>> -> memref<1x128xi32, #tpu.memory_space<vmem>>
        %dma_wait3A_65 = tpu.memref_squeeze %dma_wait3A_64 : memref<1x128xi32, #tpu.memory_space<vmem>> -> memref<128xi32, #tpu.memory_space<vmem>>
        %dma_wait3A_66 = arith.constant 0 : i32
        %dma_wait3A_67 = tpu.memref_slice %arg7[%dma_wait3A_66] : memref<10240xf32, #tpu.memory_space<vmem_shared>> -> memref<10240xf32, #tpu.memory_space<vmem_shared>>
        tpu.wait_indirect_dma semaphore(%run_scoped3A : memref<!tpu.dma_semaphore, #tpu.memory_space<semaphore_mem>>) src(%arg6 : memref<128xf32, #tpu.memory_space<vmem>>) dst(%dma_wait3A_67 : memref<10240xf32, #tpu.memory_space<vmem_shared>>)
        tpu.yield
      }) : () -> ()
    }
    %scan3A_53 = arith.constant 80 : i32
    %barrier3A_54 = arith.constant 0 : index
    tpu.barrier barrier_id(%barrier3A_54)
    %mul3A_55 = arith.constant 640 : i32
    %mul3A_56 = arith.muli %arg1, %mul3A_55 : i32
    %mul3A_57 = arith.constant 640 : i32
    %mul3A_58 = arith.muli %arg1, %mul3A_57 : i32
    "tpu.region"() ({
      %run_scoped3A = tpu.sem_alloc : memref<!tpu.dma_semaphore, #tpu.memory_space<semaphore_mem>>
      %dma_start3A = tpu.memref_slice %arg4[%arg0, %mul3A_58] : memref<2x10240xf32, #tpu.memory_space<hbm>> -> memref<1x640xf32, #tpu.memory_space<hbm>>
      %dma_start3A_59 = tpu.memref_squeeze %dma_start3A : memref<1x640xf32, #tpu.memory_space<hbm>> -> memref<640xf32, #tpu.memory_space<hbm>>
      %dma_start3A_60 = tpu.memref_slice %arg7[%mul3A_56] : memref<10240xf32, #tpu.memory_space<vmem_shared>> -> memref<640xf32, #tpu.memory_space<vmem_shared>>
      tpu.enqueue_dma source(%dma_start3A_60 : memref<640xf32, #tpu.memory_space<vmem_shared>>) target(%dma_start3A_59 : memref<640xf32, #tpu.memory_space<hbm>>) target_semaphore(%run_scoped3A : memref<!tpu.dma_semaphore, #tpu.memory_space<semaphore_mem>>)
      %dma_wait3A = tpu.memref_slice %arg4[%arg0, %mul3A_58] : memref<2x10240xf32, #tpu.memory_space<hbm>> -> memref<1x640xf32, #tpu.memory_space<hbm>>
      %dma_wait3A_61 = tpu.memref_squeeze %dma_wait3A : memref<1x640xf32, #tpu.memory_space<hbm>> -> memref<640xf32, #tpu.memory_space<hbm>>
      %dma_wait3A_62 = tpu.memref_slice %arg7[%mul3A_56] : memref<10240xf32, #tpu.memory_space<vmem_shared>> -> memref<640xf32, #tpu.memory_space<vmem_shared>>
      tpu.wait_dma2 semaphore(%run_scoped3A : memref<!tpu.dma_semaphore, #tpu.memory_space<semaphore_mem>>) src(%dma_wait3A_62 : memref<640xf32, #tpu.memory_space<vmem_shared>>) dst(%dma_wait3A_61 : memref<640xf32, #tpu.memory_space<hbm>>)
      tpu.yield
    }) : () -> ()
    return
  }
}

module attributes {stable_mosaic.version = 14 : i64} {
  func.func @_dense1_body(%arg0: memref<10000x128xf32, #tpu.memory_space<vmem>>, %arg1: memref<128x128xf32, #tpu.memory_space<vmem>>, %arg2: memref<2x10000x1xf32, #tpu.memory_space<vmem>>, %arg3: memref<10000x128xf32, #tpu.memory_space<vmem>>, %arg4: memref<10000x1xf32, #tpu.memory_space<vmem>>) attributes {dimension_semantics = [], scalar_prefetch = 0 : i64, scratch_operands = 0 : i64, tpu.core_type = #tpu.core_type<tc>} {
    %get3A = arith.constant 0 : index
    %get3A_0 = arith.constant 0 : index
    %get3A_1 = arith.constant 0 : index
    %get3A_2 = vector.load %arg2[%get3A, %get3A_0, %get3A_1] : memref<2x10000x1xf32, #tpu.memory_space<vmem>>, vector<1x10000x1xf32>
    %get3A_3 = vector.shape_cast %get3A_2 : vector<1x10000x1xf32> to vector<10000x1xf32>
    %add3A = arith.constant 1.000000e+00 : f32
    %add3A_4 = vector.broadcast %add3A : f32 to vector<10000x1xf32>
    %add3A_5 = arith.addf %add3A_4, %get3A_3 : vector<10000x1xf32>
    %get3A_6 = arith.constant 1 : index
    %get3A_7 = arith.constant 0 : index
    %get3A_8 = arith.constant 0 : index
    %get3A_9 = vector.load %arg2[%get3A_6, %get3A_7, %get3A_8] : memref<2x10000x1xf32, #tpu.memory_space<vmem>>, vector<1x10000x1xf32>
    %get3A_10 = vector.shape_cast %get3A_9 : vector<1x10000x1xf32> to vector<10000x1xf32>
    %add3A_11 = arith.addf %add3A_5, %get3A_10 : vector<10000x1xf32>
    %rsqrt3A = math.rsqrt %add3A_11 : vector<10000x1xf32>
    %get3A_12 = arith.constant 0 : index
    %get3A_13 = arith.constant 0 : index
    %get3A_14 = vector.load %arg0[%get3A_12, %get3A_13] : memref<10000x128xf32, #tpu.memory_space<vmem>>, vector<10000x128xf32>
    %get3A_15 = arith.constant 0 : index
    %get3A_16 = arith.constant 0 : index
    %get3A_17 = vector.load %arg1[%get3A_15, %get3A_16] : memref<128x128xf32, #tpu.memory_space<vmem>>, vector<128x128xf32>
    %dot_general3A = arith.constant dense<0.000000e+00> : vector<10000x128xf32>
    %dot_general3A_18 = tpu.matmul %get3A_14, %get3A_17, %dot_general3A {dimension_numbers = #tpu.dot_dimension_numbers<[1], [0], [0], [1], [0, 0, 1, 1], [], []>, transpose_lhs_hint = false} : vector<10000x128xf32>, vector<128x128xf32>, vector<10000x128xf32> -> vector<10000x128xf32>
    %mul3A = vector.broadcast %rsqrt3A : vector<10000x1xf32> to vector<10000x128xf32>
    %mul3A_19 = arith.mulf %dot_general3A_18, %mul3A : vector<10000x128xf32>
    %swap3A = arith.constant 0 : index
    %swap3A_20 = arith.constant 0 : index
    %swap3A_21 = vector.load %arg3[%swap3A, %swap3A_20] : memref<10000x128xf32, #tpu.memory_space<vmem>>, vector<10000x128xf32>
    tpu.vector_store %arg3[%swap3A, %swap3A_20], %mul3A_19 {strides = array<i32>} : memref<10000x128xf32, #tpu.memory_space<vmem>>, vector<10000x128xf32>,
    %swap3A_22 = arith.constant 0 : index
    %swap3A_23 = arith.constant 0 : index
    %swap3A_24 = vector.load %arg4[%swap3A_22, %swap3A_23] : memref<10000x1xf32, #tpu.memory_space<vmem>>, vector<10000x1xf32>
    tpu.vector_store %arg4[%swap3A_22, %swap3A_23], %rsqrt3A {strides = array<i32>} : memref<10000x1xf32, #tpu.memory_space<vmem>>, vector<10000x1xf32>,
    return
  }
}

module attributes {stable_mosaic.version = 14 : i64} {
  func.func @_dense2_body(%arg0: memref<2x10000x128xf32, #tpu.memory_space<vmem>>, %arg1: memref<10000x128xf32, #tpu.memory_space<vmem>>, %arg2: memref<10000x1xf32, #tpu.memory_space<vmem>>, %arg3: memref<1x128xf32, #tpu.memory_space<vmem>>, %arg4: memref<1x128xf32, #tpu.memory_space<vmem>>, %arg5: memref<1x128xf32, #tpu.memory_space<vmem>>, %arg6: memref<10000x128xf32, #tpu.memory_space<vmem>>) attributes {dimension_semantics = [], scalar_prefetch = 0 : i64, scratch_operands = 0 : i64, tpu.core_type = #tpu.core_type<tc>} {
    %get3A = arith.constant 0 : index
    %get3A_0 = arith.constant 0 : index
    %get3A_1 = vector.load %arg2[%get3A, %get3A_0] : memref<10000x1xf32, #tpu.memory_space<vmem>>, vector<10000x1xf32>
    %get3A_2 = arith.constant 0 : index
    %get3A_3 = arith.constant 0 : index
    %get3A_4 = arith.constant 0 : index
    %get3A_5 = vector.load %arg0[%get3A_2, %get3A_3, %get3A_4] : memref<2x10000x128xf32, #tpu.memory_space<vmem>>, vector<1x10000x128xf32>
    %get3A_6 = vector.shape_cast %get3A_5 : vector<1x10000x128xf32> to vector<10000x128xf32>
    %get3A_7 = arith.constant 1 : index
    %get3A_8 = arith.constant 0 : index
    %get3A_9 = arith.constant 0 : index
    %get3A_10 = vector.load %arg0[%get3A_7, %get3A_8, %get3A_9] : memref<2x10000x128xf32, #tpu.memory_space<vmem>>, vector<1x10000x128xf32>
    %get3A_11 = vector.shape_cast %get3A_10 : vector<1x10000x128xf32> to vector<10000x128xf32>
    %add3A = arith.addf %get3A_6, %get3A_11 : vector<10000x128xf32>
    %get3A_12 = arith.constant 0 : index
    %get3A_13 = arith.constant 0 : index
    %get3A_14 = vector.load %arg1[%get3A_12, %get3A_13] : memref<10000x128xf32, #tpu.memory_space<vmem>>, vector<10000x128xf32>
    %add3A_15 = arith.addf %add3A, %get3A_14 : vector<10000x128xf32>
    %mul3A = vector.broadcast %get3A_1 : vector<10000x1xf32> to vector<10000x128xf32>
    %mul3A_16 = arith.mulf %mul3A, %add3A_15 : vector<10000x128xf32>
    %get3A_17 = arith.constant 0 : index
    %get3A_18 = arith.constant 0 : index
    %get3A_19 = vector.load %arg3[%get3A_17, %get3A_18] : memref<1x128xf32, #tpu.memory_space<vmem>>, vector<1x128xf32>
    %add3A_20 = vector.broadcast %get3A_19 : vector<1x128xf32> to vector<10000x128xf32>
    %add3A_21 = arith.addf %mul3A_16, %add3A_20 : vector<10000x128xf32>
    %tanh3A = math.tanh %add3A_21 : vector<10000x128xf32>
    %reduce_sum3A = arith.constant dense<0.000000e+00> : vector<128xf32>
    %reduce_sum3A_22 = vector.multi_reduction <add>, %tanh3A, %reduce_sum3A [0] : vector<10000x128xf32> to vector<128xf32>
    %broadcast_in_dim3A = vector.shape_cast %reduce_sum3A_22 : vector<128xf32> to vector<1x128xf32>
    %div3A = arith.constant 1.000000e+04 : f32
    %div3A_23 = vector.broadcast %div3A : f32 to vector<1x128xf32>
    %div3A_24 = arith.divf %broadcast_in_dim3A, %div3A_23 : vector<1x128xf32>
    %sub3A = vector.broadcast %div3A_24 : vector<1x128xf32> to vector<10000x128xf32>
    %sub3A_25 = arith.subf %tanh3A, %sub3A : vector<10000x128xf32>
    %mul3A_26 = arith.mulf %sub3A_25, %sub3A_25 : vector<10000x128xf32>
    %reduce_sum3A_27 = arith.constant dense<0.000000e+00> : vector<128xf32>
    %reduce_sum3A_28 = vector.multi_reduction <add>, %mul3A_26, %reduce_sum3A_27 [0] : vector<10000x128xf32> to vector<128xf32>
    %broadcast_in_dim3A_29 = vector.shape_cast %reduce_sum3A_28 : vector<128xf32> to vector<1x128xf32>
    %div3A_30 = arith.constant 1.000000e+04 : f32
    %div3A_31 = vector.broadcast %div3A_30 : f32 to vector<1x128xf32>
    %div3A_32 = arith.divf %broadcast_in_dim3A_29, %div3A_31 : vector<1x128xf32>
    %get3A_33 = arith.constant 0 : index
    %get3A_34 = arith.constant 0 : index
    %get3A_35 = vector.load %arg4[%get3A_33, %get3A_34] : memref<1x128xf32, #tpu.memory_space<vmem>>, vector<1x128xf32>
    %mul3A_36 = vector.broadcast %get3A_35 : vector<1x128xf32> to vector<10000x128xf32>
    %mul3A_37 = arith.mulf %mul3A_36, %sub3A_25 : vector<10000x128xf32>
    %add3A_38 = arith.constant 9.99999974E-6 : f32
    %add3A_39 = vector.broadcast %add3A_38 : f32 to vector<1x128xf32>
    %add3A_40 = arith.addf %div3A_32, %add3A_39 : vector<1x128xf32>
    %rsqrt3A = math.rsqrt %add3A_40 : vector<1x128xf32>
    %mul3A_41 = vector.broadcast %rsqrt3A : vector<1x128xf32> to vector<10000x128xf32>
    %mul3A_42 = arith.mulf %mul3A_37, %mul3A_41 : vector<10000x128xf32>
    %get3A_43 = arith.constant 0 : index
    %get3A_44 = arith.constant 0 : index
    %get3A_45 = vector.load %arg5[%get3A_43, %get3A_44] : memref<1x128xf32, #tpu.memory_space<vmem>>, vector<1x128xf32>
    %add3A_46 = vector.broadcast %get3A_45 : vector<1x128xf32> to vector<10000x128xf32>
    %add3A_47 = arith.addf %mul3A_42, %add3A_46 : vector<10000x128xf32>
    %swap3A = arith.constant 0 : index
    %swap3A_48 = arith.constant 0 : index
    %swap3A_49 = vector.load %arg6[%swap3A, %swap3A_48] : memref<10000x128xf32, #tpu.memory_space<vmem>>, vector<10000x128xf32>
    tpu.vector_store %arg6[%swap3A, %swap3A_48], %add3A_47 {strides = array<i32>} : memref<10000x128xf32, #tpu.memory_space<vmem>>, vector<10000x128xf32>,
    return
  }
}

</mosaic_0001>

<sc_bundles>
// kernel: kernel.6.cloned.1.call-start
scs
__scs_entry_jumppad:
0x0: {  	(pc) =	sbr.rel $0x88, $3  }
0x1: {  	(tag) =	ssettag $0x0;
	lr =	simm.s32 $0x1  }
0x2: {  	[smem:$0x3F9B] =	sst lr;
	_ =	strace $0xD0000000  }
0x3: {  	_ = 	snop  }
0x4: {  	_ = 	snop  }
0x5: {  	_ = 	snop  }
0x6: {  	_ = 	snop  }
0x7: {  	_ = 	snop  }
__scs_overlays_trampoline_lowered:
0x8: {  	[smem:$0x3FAA] =	sst s0  }
0x9: {  	[smem:$0x3FAB] =	sst s1  }
0xa: {  	[smem:$0x3FAC] =	sst s2  }
0xb: {  	[smem:$0x3FAD] =	sst s3  }
0xc: {  	[smem:$0x3FAE] =	sst s4  }
0xd: {  	[smem:$0x3FAF] =	sst s5  }
0xe: {  	[smem:$0x3FB0] =	sst s6  }
0xf: {  	[smem:$0x3FB1] =	sst s7  }
0x10: {  	[smem:$0x3FB2] =	sst s8  }
0x11: {  	[smem:$0x3FB3] =	sst s9;
	s0 =	simm.s32 @!p0 $0x0  }
0x12: {  	s1 =	sld [smem:$0x3F99];
	s0 =	simm.s32 @p0 $0x1  }
0x13: {  	[smem:$0x3FB4] =	sst s0;
	s0 =	simm.s32 @!p1 $0x0  }
0x14: {  	s2 =	sld [smem:$0x3F98];
	s0 =	simm.s32 @p1 $0x1  }
0x15: {  	[smem:$0x3FB5] =	sst s0;
	s0 =	simm.s32 @!p2 $0x0  }
0x16: {  	s3 =	sld [smem:$0x3FDB];
	s0 =	simm.s32 @p2 $0x1  }
0x17: {  	s4 =	simm.s32 $0x1BF5;
	[smem:$0x3FB7] =	sst s0  }
0x18: {  	s0 =	sld [smem:$0x3F9A];
	_ =	swait.ge [sflag:s4], $0x0  }
0x19: {  	s7 =	sld [smem:$0x3F9B]  }
0x1a: {  	s8 =	sadd.s32 $0xFFFFE003, lr  }
0x1b: {  	s9 =	sadd.s32 $0xFFFFFEF7, lr;
	s5 =	simm.s32 $0xFFFFFFFF;
	p2 =	slt.u32 s8, $0xFFFFF086  }
0x1c: {  	p1 =	slt.u32 s9, $0xF7A;
	s5 =	simm.s32 @!p2 $0x0  }
0x1d: {  	s5 =	simm.s32 @p1 $0x1;
	p0 =	seq.s32 s7, s2  }
0x1e: {  	s7 =	smul.u32 @!p0 $0xF7A, s2;
	p2 =	seq.s32 @!p0 s5, $0x0  }
0x1f: {  	s9 =	smul.u32 $0xF7A, s1;
	s8 =	simm.s32 @!p0 $0x1BF5;
	p2 =	por !p2, p0  }
0x20: {  	[sflag:s8] =	ssyncset.s32 @!p0 $0xFFFFF086;
	s6 =	sadd.s32 @!p0 s3, s7;
	s7 =	simm.s32 @!p0 $0x108  }
0x21: {  	s3 =	sadd.s32 s3, s9;
	s6 =	sadd.s32 @!p0 $0x88, s6;
	s7 =	simm.s32 @p2 $0x1082  }
0x22: {  	[simem:s7], [sflag:s8] =	dma.local @!p0 [hbm:s6], $0xF7A  }
0x23: {  	s9 =	sor.u32 $0xD0000000, s2;
	s6 =	simm.s32 $0x108;
	_ =	swait.ge @!p0 [sflag:s8], $0x0  }
0x24: {  	s3 =	sadd.s32 $0x88, s3;
	s6 =	simm.s32 @!p1 $0x1082;
	[sflag:s4] =	ssyncset.s32 $0xFFFFF086  }
0x25: {  	[simem:s6], [sflag:s4] =	dma.local [hbm:s3], $0xF7A  }
0x26: {  	[smem:$0x3F9B] =	sst s1;
	(tag) =	ssettag s2;
	_ =	strace s9  }
0x27: {  	s1 =	sld [smem:$0x3FAB]  }
0x28: {  	s2 =	sld [smem:$0x3FAC]  }
0x29: {  	s4 =	sld [smem:$0x3FAE]  }
0x2a: {  	p0 =	seq.s32 s5, $0x0;
	s5 =	sld [smem:$0x3FAF]  }
0x2b: {  	s6 =	sld [smem:$0x3FB0]  }
0x2c: {  	s7 =	sld [smem:$0x3FB1]  }
0x2d: {  	s3 =	simm.s32 $0x108;
	s8 =	sld [smem:$0x3FB2]  }
0x2e: {  	s3 =	simm.s32 @!p0 $0x1082;
	s9 =	sld [smem:$0x3FB3]  }
0x2f: {  	lr =	sadd.s32 s0, s3;
	s0 =	sld [smem:$0x3FAA]  }
0x30: {  	s3 =	sld [smem:$0x3FAD]  }
0x31: {  	[smem:$0x3FB6] =	sst s10  }
0x32: {  	s10 =	sld [smem:$0x3FB4];
	_ =	sdelay $0x3  }
0x33: {  	p0 =	seq.s32 s10, $0x1;
	s10 =	sld [smem:$0x3FB6];
	_ =	sdelay $0x3  }
0x34: {  	[smem:$0x3FB6] =	sst s10  }
0x35: {  	s10 =	sld [smem:$0x3FB5];
	_ =	sdelay $0x3  }
0x36: {  	p1 =	seq.s32 s10, $0x1;
	s10 =	sld [smem:$0x3FB6];
	_ =	sdelay $0x3  }
0x37: {  	[smem:$0x3FB6] =	sst s10  }
0x38: {  	s10 =	sld [smem:$0x3FB7]  }
0x39: {  	_ = 	snop;
	(pc) =	sbr.ind lr, $3  }
0x3a: {  	_ = 	snop  }
0x3b: {  	_ = 	snop  }
0x3c: {  	p2 =	seq.s32 s10, $0x1;
	s10 =	sld [smem:$0x3FB6]  }
0x3d: {  	_ =	shalt  }
0x3e: {  	_ =	shalt  }
0x3f: {  	_ =	shalt  }
0x40: {  	_ =	shalt  }
0x41: {  	_ =	shalt  }
0x42: {  	_ =	shalt  }
0x43: {  	_ =	shalt  }
0x44: {  	_ =	shalt  }
0x45: {  	_ =	shalt  }
0x46: {  	_ =	shalt  }
0x47: {  	_ =	shalt  }
0x48: {  	_ =	shalt  }
0x49: {  	_ =	shalt  }
0x4a: {  	_ =	shalt  }
0x4b: {  	_ =	shalt  }
0x4c: {  	_ =	shalt  }
0x4d: {  	_ =	shalt  }
0x4e: {  	_ =	shalt  }
0x4f: {  	_ =	shalt  }
0x50: {  	_ =	shalt  }
0x51: {  	_ =	shalt  }
0x52: {  	_ =	shalt  }
0x53: {  	_ =	shalt  }
0x54: {  	_ =	shalt  }
0x55: {  	_ =	shalt  }
0x56: {  	_ =	shalt  }
0x57: {  	_ =	shalt  }
0x58: {  	_ =	shalt  }
0x59: {  	_ =	shalt  }
0x5a: {  	_ =	shalt  }
0x5b: {  	_ =	shalt  }
0x5c: {  	_ =	shalt  }
0x5d: {  	_ =	shalt  }
0x5e: {  	_ =	shalt  }
0x5f: {  	_ =	shalt  }
0x60: {  	_ =	shalt  }
0x61: {  	_ =	shalt  }
0x62: {  	_ =	shalt  }
0x63: {  	_ =	shalt  }
0x64: {  	_ =	shalt  }
0x65: {  	_ =	shalt  }
0x66: {  	_ =	shalt  }
0x67: {  	_ =	shalt  }
0x68: {  	_ =	shalt  }
0x69: {  	_ =	shalt  }
0x6a: {  	_ =	shalt  }
0x6b: {  	_ =	shalt  }
0x6c: {  	_ =	shalt  }
0x6d: {  	_ =	shalt  }
0x6e: {  	_ =	shalt  }
0x6f: {  	_ =	shalt  }
0x70: {  	_ =	shalt  }
0x71: {  	_ =	shalt  }
0x72: {  	_ =	shalt  }
0x73: {  	_ =	shalt  }
0x74: {  	_ =	shalt  }
0x75: {  	_ =	shalt  }
0x76: {  	_ =	shalt  }
0x77: {  	_ =	shalt  }
0x78: {  	_ =	shalt  }
0x79: {  	_ =	shalt  }
0x7a: {  	_ =	shalt  }
0x7b: {  	_ =	shalt  }
0x7c: {  	_ =	shalt  }
0x7d: {  	_ =	shalt  }
0x7e: {  	_ =	shalt  }
0x7f: {  	_ =	shalt  }
0x80: {  	_ =	shalt  }
0x81: {  	_ =	shalt  }
0x82: {  	_ =	shalt  }
0x83: {  	_ =	shalt  }
0x84: {  	_ =	shalt  }
0x85: {  	_ =	shalt  }
0x86: {  	_ =	shalt  }
0x87: {  	_ =	shalt  }
.Lfunc_end0:
.L_simem_size_0:
called_computation_lowered:
.L_overlay_start_0:
0x88: {  	s2 =	sld [smem:$0x3FD9]  }
0x89: {  	s3 =	sld [smem:$0x3FFE];
	_ =	sdelay $0x1  }
0x8a: {  	s1 =	srdreg.scid  }
0x8b: {  	s0 =	sand.u32 $0x1, s1  }
0x8c: {  	s17 =	sshll.u32 s0, $0xA;
	s2 =	sadd.s32 s3, s2  }
0x8d: {  	s2 =	sadd.s32 s2, s17  }
0x8e: {  	[smem:$0x3FC2] =	sst s2  }
0x8f: {  	_ = 	snop  }
0x90: {  	s2 =	sld [smem:$0x3FD0];
	(tm) =	ssettm $0x1  }
0x91: {  	s18 =	sld [smem:$0x3FFB];
	_ =	sdelay $0x3  }
0x92: {  	_ =	strace s18  }
0x93: {  	s3 =	sld [smem:$0x3FFC];
	_ =	sdelay $0x3  }
0x94: {  	_ =	strace s3  }
0x95: {  	s3 =	sld [smem:$0x3FFD];
	_ =	sdelay $0x3  }
0x96: {  	_ =	strace s3  }
0x97: {  	_ =	strace $0x8FFFFFFF  }
0x98: {  	s19 =	sld [smem:$0x3FDB];
	_ =	sdelay $0x1  }
0x99: {  	s4 =	simm.s32 $_scs_section_size  }
0x9a: {  	s5 =	simm.s32 $_size__tile_overlayer_lowered;
	s6 =	simm.s32 $_tile_overlayer_lowered  }
0x9b: {  	s22 =	simm.s32 $0x1BFF;
	s21 =	sshll.u32 s6, $0x1;
	s3 =	sadd.s32 s4, s19  }
0x9c: {  	s7 =	simm.s32 $0x0;
	s20 =	sshll.u32 s5, $0x1;
	s5 =	sadd.s32 s21, s3  }
0x9d: {  	[timem:s7], [sflag:s22] =	dma.local [hbm:s5], s20  }
0x9e: {  	_ =	swait.ge [sflag:s22], s20  }
0x9f: {  	s4 =	ssub.s32 $0x0, s20;
	[sflag:s22] =	ssyncset.done $0x0  }
0xa0: {  	[sflag:s22] =	ssyncadd.s32 s4;
	_ =	sdelay $0x1  }
0xa1: {  	s23 =	simm.s32 $0x1B8B  }
0xa2: {  	_ =	swait.ge [sflag:s23], $0x1  }
0xa3: {  	[sflag:s23] =	ssyncset.done $0x0  }
0xa4: {  	s25 =	simm.s32 $0x1B8E;
	s24 =	sld [smem:$0x3FFE];
	[sflag:s23] =	ssyncadd.s32 $0xFFFFFFFF  }
0xa5: {  	s26 =	simm.s32 $execute0_lowered;
	[smem:$0x3FD2] =	sst s25  }
0xa6: {  	s5 =	sshll.u32 s26, $0x1;
	_ =	strace $0x80000046;
	[dreg:$0x1] =	wrdreg $0xFFFFFFFF  }
0xa7: {  	s28 =	simm.s32 $_size_execute0_lowered;
	s3 =	sadd.s32 s3, s5;
	[dreg:$0x0] =	wrdreg $0x0  }
0xa8: {  	s5 =	sshll.u32 s28, $0x1;
	[dreg:$0x2] =	wrdreg s3  }
0xa9: {  	[dreg:$0x3] =	wrdreg s5  }
0xaa: {  	[dreg:$0x4] =	wrdreg $0xC0  }
0xab: {  	_ =	task [dreg:s7], $0x5FFFF  }
0xac: {  	[dreg:$0x1] =	wrdreg $0xFFFFFFFF  }
0xad: {  	[dreg:$0x0] =	wrdreg $0x60  }
0xae: {  	[dreg:$0x2] =	wrdreg s24  }
0xaf: {  	[dreg:$0x3] =	wrdreg s2  }
0xb0: {  	[dreg:$0x4] =	wrdreg $0x28800  }
0xb1: {  	[dreg:$0x5] =	wrdreg $0x9  }
0xb2: {  	_ =	task.clear_ibuf [dreg:s7], $0x6FFFF;
	_ =	strace $0x90000046  }
0xb3: {  	s29 =	simm.s32 $0x9;
	_ =	strace $0x80000048  }
0xb4: {  	_ =	swait.ge [sflag:s29], $0x1  }
0xb5: {  	[sflag:s29] =	ssyncadd.s32 $0xFFFFFFFF  }
0xb6: {  	_ =	strace $0x90000048  }
0xb7: {  	_ =	sfence  }
0xb8: {  	s30 =	sld [smem:$0x0];
	_ =	sdelay $0x2  }
0xb9: {  	s31 =	sshll.u32 s1, $0xD;
	s1 =	sshrl.u32 s1, $0x2  }
0xba: {  	s3 =	sand.u32 $0x4000, s31;
	s1 =	sadd.s32 s1, s30  }
0xbb: {  	s0 =	sor.u32 s3, s0;
	s1 =	sshll.u32 s1, $0x11  }
0xbc: {  	s0 =	sor.u32 s1, s0  }
0xbd: {  	s0 =	sadd.s32 $0x8F2B, s0  }
0xbe: {  	[sflag:s0] =	ssyncadd.remote.s32 $0x1  }
0xbf: {  	_ =	sfence.sel $0xFFFF  }
0xc0: {  	[dreg:$0x0] =	wrdreg $0xFFFFFFFF;
	(pc) =	sbr.abs _section_cstart, $3  }
0xc1: {  	[dreg:$0x1] =	wrdreg $0xFFFFFFFF  }
0xc2: {  	_ =	task.clear_ibuf [dreg:s7], $0x2FFFF;
	_ =	strace $0x9FFFFFFF  }
0xc3: {  	(tm) =	ssettm $0x7FFFFFFF  }
tec
execute0_lowered:
.L_overlay_start_1:
0x0: {  	(tag) =	ssettag $0x1  }
0x1: {  	s4 =	rddreg [dreg:$0x0]  }
0x2: {  	s6 =	rddreg [dreg:$0x1]  }
0x3: {  	s1 =	srdreg.scid;
	s0 =	stileid.u32  }
0x4: {  	s2 =	rddreg [dreg:$0x2];
	s3 =	simm.s32 $0x0;
	s12 =	simm.s32 $0x2800  }
0x5: {  	s13 =	simm.s32 $0x20;
	s14 =	simm.s32 $0x10;
	s15 =	simm.s32 $0x0  }
0x6: {  	s5 =	sand.u32 $0x1, s1;
	s1 =	rddreg [dreg:$0x3];
	s9 =	smul.u32 $0x500, s0  }
0x7: {  	s7 =	sshll.u32 s0, $0x1;
	[smem:$0x7FF] =	sst s3;
	s11 =	smul.u32 $0xA00, s0  }
0x8: {  	s31 =	sshll.u32 s0, $0x6;
	s7 =	sor.u32 s5, s7;
	_ =	strace $0x80000047  }
0x9: {  	s8 =	ssub.s32 $0x2, s5;
	s5 =	sshll.u32 s5, $0x7;
	s7 =	smul.u32 $0x500, s7  }
0xa: {  	s10 =	sshrl.u32 s8, $0x1;
	s9 =	sor.u32 s5, s9;
	s29 =	sshrl.u32 s11, $0x2  }
0xb: {  	s11 =	simm.s32 $0x80;
	s8 =	ssub.s32 s8, s10;
	s9 =	sshrl.u32 s9, $0x3  }
0xc: {  	s30 =	sadd.s32 s29, s2;
	s7 =	sadd.s32 s7, s4;
	s4 =	sadd.s32 $0xBC00, s4  }
0xd: {  	s6 =	sadd.s32 s6, s9;
	s9 =	sor.u32 $0x1C01, s31;
	s10 =	sshrl.u32 s30, $0x3  }
0xe: {  	v0 =	vimm.f32 $1.000000000e+00;
	s5 =	sadd.s32 $0x1C00, s7;
	s7 =	smax.u32 s8, $0x1;
	s8 =	simm.s32 $0x1  }
.LBB2_1:
0xf: {  	[tilespmem:s3], [sflag:$0x1] =	stream.linear.gather [hbm4b:s5+s3], $0x2800, $0x38;
	[tilespmem:$0x2B00] =	vst v63  }
0x10: {  	_ =	swait.ge [sflag:s8], $0x2800  }
0x11: {  	[sflag:s8] =	ssyncset.done $0x0  }
0x12: {  	[sflag:s8] =	ssyncadd.s32 $0xFFFFD800  }
0x13: {  	[tilespmem:$0x2800] =	vst v0  }
0x14: {  	[tilespmem:$0x2810] =	vst v0  }
0x15: {  	[tilespmem:$0x2820] =	vst v0  }
0x16: {  	[tilespmem:$0x2830] =	vst v0  }
0x17: {  	[tilespmem:$0x2840] =	vst v0  }
0x18: {  	[tilespmem:$0x2850] =	vst v0  }
0x19: {  	[tilespmem:$0x2860] =	vst v0  }
0x1a: {  	[tilespmem:$0x2870] =	vst v0  }
0x1b: {  	[spmem:s10], [sflag:s9] =	dma.local [hbm:s4], $0x50  }
0x1c: {  	_ =	swait.ge [sflag:s8], $0x50  }
0x1d: {  	[sflag:s8] =	ssyncset.done $0x0  }
0x1e: {  	[sflag:s8] =	ssyncadd.s32 $0xFFFFFFB0  }
0x1f: {  	s16 =	simm.s32 $0x0;
	[bflag:$0x0] =	sbarrier.arrive $0xFFFF  }
0x20: {  	[spmem:s2] =	stream.indirect.scatter.add.f32 [tilespmem:s12], [sflag:$0x1], $0x1, s16, s11, $0xb8;
	[tilespmem:$0x2B00] =	vst v63  }
0x21: {  	_ =	swait.ge [sflag:s8], $0x80  }
0x22: {  	s16 =	simm.s32 $0x200;
	[sflag:s8] =	ssyncset.done $0x0  }
.LBB2_2:
0x23: {  	s17 =	sshra.s32 s16, $0x2;
	[sflag:s8] =	ssyncadd.s32 $0xFFFFFF80;
	p0 =	sne.s32 s16, $0x9E00  }
0x24: {  	[spmem:s2] =	stream.indirect.scatter.add.f32 [tilespmem:s12], [sflag:$0x1], $0x1, s17, s11, $0xb8;
	[tilespmem:$0x2B00] =	vst v63  }
.Ltmp0:
0x25: {  	_ = 	snop;
	(pc) =	sbr.rel @p0 .LBB2_2-.Ltmp0, $4  }
0x26: {  	_ = 	snop  }
0x27: {  	s16 =	sadd.s32 $0x200, s16  }
0x28: {  	_ =	swait.ge [sflag:s8], $0x80  }
0x29: {  	[sflag:s8] =	ssyncset.done $0x0  }
0x2a: {  	s15 =	sadd.s32 $0x1, s15  }
0x2b: {  	[sflag:s8] =	ssyncadd.s32 $0xFFFFFF80;
	p0 =	sne.s32 s15, s7  }
.Ltmp1:
0x2c: {  	[bflag:$0x0] =	sbarrier.arrive $0xFFFF;
	(pc) =	sbr.rel @p0 .LBB2_1-.Ltmp1, $4  }
0x2d: {  	[hbm:s6@s13], [sflag:s9] =	dma.strided [spmem:s10@s14], $0x50, s8, $0x10   }
0x2e: {  	_ =	swait.ge [sflag:s8], $0x50  }
0x2f: {  	[sflag:s8] =	ssyncset.done $0x0  }
0x30: {  	[sflag:s8] =	ssyncadd.s32 $0xFFFFFFB0  }
0x31: {  	_ =	sfence.sel $0x180000  }
0x32: {  	[bflag:$0x0] =	sbarrier.arrive $0xFFFF  }
0x33: {  	p0 =	sne.s32 s0, $0x0;
	_ =	strace $0x90000047  }
0x34: {  	s0 =	sadd.s32 @!p0 $0x100000, s1;
	[bflag:$0x2] =	sbarrier.arrive $0xFFFF  }
0x35: {  	[sflag:s0] =	ssyncadd.tile.s32 @!p0 $0x1;
	_ =	shalt  }
.Lfunc_end2:
_tile_overlayer_lowered:
.L_overlay_start_2:
0x36: {  	(tag) =	ssettag $0x2  }
0x37: {  	s0 =	rddreg [dreg:$0x0];
	s2 =	stileid.u32  }
0x38: {  	s1 =	rddreg [dreg:$0x1];
	p0 =	sne.s32 s2, $0x0  }
0x39: {  	s3 =	rddreg [dreg:$0x2];
	[bflag:$0x3] =	sbarrier.arrive $0xFFFF;
	s2 =	simm.s32 @!p0 $0x1C01  }
0x3a: {  	[timem:s3], [sflag:s2] =	dma.local @!p0 [hbm:s0], s1  }
0x3b: {  	s0 =	simm.s32 @!p0 $0x1  }
0x3c: {  	_ =	swait.ge @!p0 [sflag:s0], s1  }
0x3d: {  	s1 =	ssub.s32 @!p0 $0x0, s1;
	[sflag:s0] =	ssyncset.done @!p0 $0x0  }
0x3e: {  	[sflag:s0] =	ssyncadd.s32 @!p0 s1  }
0x3f: {  	[bflag:$0x3] =	sbarrier.arrive $0xFFFF  }
0x40: {  	_ =	shalt  }

// kernel: kernel.9.cloned.1.call-start
scs
__scs_entry_jumppad:
0x0: {  	(pc) =	sbr.rel $0x88, $3  }
0x1: {  	(tag) =	ssettag $0x0;
	lr =	simm.s32 $0x1  }
0x2: {  	[smem:$0x3F9B] =	sst lr;
	_ =	strace $0xD0000000  }
0x3: {  	_ = 	snop  }
0x4: {  	_ = 	snop  }
0x5: {  	_ = 	snop  }
0x6: {  	_ = 	snop  }
0x7: {  	_ = 	snop  }
__scs_overlays_trampoline_lowered:
0x8: {  	[smem:$0x3FAA] =	sst s0  }
0x9: {  	[smem:$0x3FAB] =	sst s1  }
0xa: {  	[smem:$0x3FAC] =	sst s2  }
0xb: {  	[smem:$0x3FAD] =	sst s3  }
0xc: {  	[smem:$0x3FAE] =	sst s4  }
0xd: {  	[smem:$0x3FAF] =	sst s5  }
0xe: {  	[smem:$0x3FB0] =	sst s6  }
0xf: {  	[smem:$0x3FB1] =	sst s7  }
0x10: {  	[smem:$0x3FB2] =	sst s8  }
0x11: {  	[smem:$0x3FB3] =	sst s9;
	s0 =	simm.s32 @!p0 $0x0  }
0x12: {  	s1 =	sld [smem:$0x3F99];
	s0 =	simm.s32 @p0 $0x1  }
0x13: {  	[smem:$0x3FB4] =	sst s0;
	s0 =	simm.s32 @!p1 $0x0  }
0x14: {  	s2 =	sld [smem:$0x3F98];
	s0 =	simm.s32 @p1 $0x1  }
0x15: {  	[smem:$0x3FB5] =	sst s0;
	s0 =	simm.s32 @!p2 $0x0  }
0x16: {  	s3 =	sld [smem:$0x3FDB];
	s0 =	simm.s32 @p2 $0x1  }
0x17: {  	s4 =	simm.s32 $0x1BF5;
	[smem:$0x3FB7] =	sst s0  }
0x18: {  	s0 =	sld [smem:$0x3F9A];
	_ =	swait.ge [sflag:s4], $0x0  }
0x19: {  	s7 =	sld [smem:$0x3F9B]  }
0x1a: {  	s8 =	sadd.s32 $0xFFFFE003, lr  }
0x1b: {  	s9 =	sadd.s32 $0xFFFFFEF7, lr;
	s5 =	simm.s32 $0xFFFFFFFF;
	p2 =	slt.u32 s8, $0xFFFFF086  }
0x1c: {  	p1 =	slt.u32 s9, $0xF7A;
	s5 =	simm.s32 @!p2 $0x0  }
0x1d: {  	s5 =	simm.s32 @p1 $0x1;
	p0 =	seq.s32 s7, s2  }
0x1e: {  	s7 =	smul.u32 @!p0 $0xF7A, s2;
	p2 =	seq.s32 @!p0 s5, $0x0  }
0x1f: {  	s9 =	smul.u32 $0xF7A, s1;
	s8 =	simm.s32 @!p0 $0x1BF5;
	p2 =	por !p2, p0  }
0x20: {  	[sflag:s8] =	ssyncset.s32 @!p0 $0xFFFFF086;
	s6 =	sadd.s32 @!p0 s3, s7;
	s7 =	simm.s32 @!p0 $0x108  }
0x21: {  	s3 =	sadd.s32 s3, s9;
	s6 =	sadd.s32 @!p0 $0x88, s6;
	s7 =	simm.s32 @p2 $0x1082  }
0x22: {  	[simem:s7], [sflag:s8] =	dma.local @!p0 [hbm:s6], $0xF7A  }
0x23: {  	s9 =	sor.u32 $0xD0000000, s2;
	s6 =	simm.s32 $0x108;
	_ =	swait.ge @!p0 [sflag:s8], $0x0  }
0x24: {  	s3 =	sadd.s32 $0x88, s3;
	s6 =	simm.s32 @!p1 $0x1082;
	[sflag:s4] =	ssyncset.s32 $0xFFFFF086  }
0x25: {  	[simem:s6], [sflag:s4] =	dma.local [hbm:s3], $0xF7A  }
0x26: {  	[smem:$0x3F9B] =	sst s1;
	(tag) =	ssettag s2;
	_ =	strace s9  }
0x27: {  	s1 =	sld [smem:$0x3FAB]  }
0x28: {  	s2 =	sld [smem:$0x3FAC]  }
0x29: {  	s4 =	sld [smem:$0x3FAE]  }
0x2a: {  	p0 =	seq.s32 s5, $0x0;
	s5 =	sld [smem:$0x3FAF]  }
0x2b: {  	s6 =	sld [smem:$0x3FB0]  }
0x2c: {  	s7 =	sld [smem:$0x3FB1]  }
0x2d: {  	s3 =	simm.s32 $0x108;
	s8 =	sld [smem:$0x3FB2]  }
0x2e: {  	s3 =	simm.s32 @!p0 $0x1082;
	s9 =	sld [smem:$0x3FB3]  }
0x2f: {  	lr =	sadd.s32 s0, s3;
	s0 =	sld [smem:$0x3FAA]  }
0x30: {  	s3 =	sld [smem:$0x3FAD]  }
0x31: {  	[smem:$0x3FB6] =	sst s10  }
0x32: {  	s10 =	sld [smem:$0x3FB4];
	_ =	sdelay $0x3  }
0x33: {  	p0 =	seq.s32 s10, $0x1;
	s10 =	sld [smem:$0x3FB6];
	_ =	sdelay $0x3  }
0x34: {  	[smem:$0x3FB6] =	sst s10  }
0x35: {  	s10 =	sld [smem:$0x3FB5];
	_ =	sdelay $0x3  }
0x36: {  	p1 =	seq.s32 s10, $0x1;
	s10 =	sld [smem:$0x3FB6];
	_ =	sdelay $0x3  }
0x37: {  	[smem:$0x3FB6] =	sst s10  }
0x38: {  	s10 =	sld [smem:$0x3FB7]  }
0x39: {  	_ = 	snop;
	(pc) =	sbr.ind lr, $3  }
0x3a: {  	_ = 	snop  }
0x3b: {  	_ = 	snop  }
0x3c: {  	p2 =	seq.s32 s10, $0x1;
	s10 =	sld [smem:$0x3FB6]  }
0x3d: {  	_ =	shalt  }
0x3e: {  	_ =	shalt  }
0x3f: {  	_ =	shalt  }
0x40: {  	_ =	shalt  }
0x41: {  	_ =	shalt  }
0x42: {  	_ =	shalt  }
0x43: {  	_ =	shalt  }
0x44: {  	_ =	shalt  }
0x45: {  	_ =	shalt  }
0x46: {  	_ =	shalt  }
0x47: {  	_ =	shalt  }
0x48: {  	_ =	shalt  }
0x49: {  	_ =	shalt  }
0x4a: {  	_ =	shalt  }
0x4b: {  	_ =	shalt  }
0x4c: {  	_ =	shalt  }
0x4d: {  	_ =	shalt  }
0x4e: {  	_ =	shalt  }
0x4f: {  	_ =	shalt  }
0x50: {  	_ =	shalt  }
0x51: {  	_ =	shalt  }
0x52: {  	_ =	shalt  }
0x53: {  	_ =	shalt  }
0x54: {  	_ =	shalt  }
0x55: {  	_ =	shalt  }
0x56: {  	_ =	shalt  }
0x57: {  	_ =	shalt  }
0x58: {  	_ =	shalt  }
0x59: {  	_ =	shalt  }
0x5a: {  	_ =	shalt  }
0x5b: {  	_ =	shalt  }
0x5c: {  	_ =	shalt  }
0x5d: {  	_ =	shalt  }
0x5e: {  	_ =	shalt  }
0x5f: {  	_ =	shalt  }
0x60: {  	_ =	shalt  }
0x61: {  	_ =	shalt  }
0x62: {  	_ =	shalt  }
0x63: {  	_ =	shalt  }
0x64: {  	_ =	shalt  }
0x65: {  	_ =	shalt  }
0x66: {  	_ =	shalt  }
0x67: {  	_ =	shalt  }
0x68: {  	_ =	shalt  }
0x69: {  	_ =	shalt  }
0x6a: {  	_ =	shalt  }
0x6b: {  	_ =	shalt  }
0x6c: {  	_ =	shalt  }
0x6d: {  	_ =	shalt  }
0x6e: {  	_ =	shalt  }
0x6f: {  	_ =	shalt  }
0x70: {  	_ =	shalt  }
0x71: {  	_ =	shalt  }
0x72: {  	_ =	shalt  }
0x73: {  	_ =	shalt  }
0x74: {  	_ =	shalt  }
0x75: {  	_ =	shalt  }
0x76: {  	_ =	shalt  }
0x77: {  	_ =	shalt  }
0x78: {  	_ =	shalt  }
0x79: {  	_ =	shalt  }
0x7a: {  	_ =	shalt  }
0x7b: {  	_ =	shalt  }
0x7c: {  	_ =	shalt  }
0x7d: {  	_ =	shalt  }
0x7e: {  	_ =	shalt  }
0x7f: {  	_ =	shalt  }
0x80: {  	_ =	shalt  }
0x81: {  	_ =	shalt  }
0x82: {  	_ =	shalt  }
0x83: {  	_ =	shalt  }
0x84: {  	_ =	shalt  }
0x85: {  	_ =	shalt  }
0x86: {  	_ =	shalt  }
0x87: {  	_ =	shalt  }
.Lfunc_end0:
.L_simem_size_0:
called_computation.1_lowered:
.L_overlay_start_0:
0x88: {  	s2 =	sld [smem:$0x3FD9]  }
0x89: {  	s3 =	sld [smem:$0x3FFE];
	_ =	sdelay $0x1  }
0x8a: {  	s1 =	srdreg.scid  }
0x8b: {  	s0 =	sand.u32 $0x1, s1  }
0x8c: {  	s17 =	sshll.u32 s0, $0xA;
	s2 =	sadd.s32 s3, s2  }
0x8d: {  	s2 =	sadd.s32 s2, s17  }
0x8e: {  	[smem:$0x3FC2] =	sst s2  }
0x8f: {  	_ = 	snop  }
0x90: {  	s2 =	sld [smem:$0x3FD0];
	(tm) =	ssettm $0x1  }
0x91: {  	s18 =	sld [smem:$0x3FFB];
	_ =	sdelay $0x3  }
0x92: {  	_ =	strace s18  }
0x93: {  	s3 =	sld [smem:$0x3FFC];
	_ =	sdelay $0x3  }
0x94: {  	_ =	strace s3  }
0x95: {  	s3 =	sld [smem:$0x3FFD];
	_ =	sdelay $0x3  }
0x96: {  	_ =	strace s3  }
0x97: {  	_ =	strace $0x8FFFFFFF  }
0x98: {  	s19 =	sld [smem:$0x3FDB];
	_ =	sdelay $0x1  }
0x99: {  	s4 =	simm.s32 $_scs_section_size  }
0x9a: {  	s5 =	simm.s32 $_size__tile_overlayer_lowered;
	s6 =	simm.s32 $_tile_overlayer_lowered  }
0x9b: {  	s22 =	simm.s32 $0x1BFF;
	s21 =	sshll.u32 s6, $0x1;
	s3 =	sadd.s32 s4, s19  }
0x9c: {  	s7 =	simm.s32 $0x0;
	s20 =	sshll.u32 s5, $0x1;
	s5 =	sadd.s32 s21, s3  }
0x9d: {  	[timem:s7], [sflag:s22] =	dma.local [hbm:s5], s20  }
0x9e: {  	_ =	swait.ge [sflag:s22], s20  }
0x9f: {  	s4 =	ssub.s32 $0x0, s20;
	[sflag:s22] =	ssyncset.done $0x0  }
0xa0: {  	[sflag:s22] =	ssyncadd.s32 s4;
	_ =	sdelay $0x1  }
0xa1: {  	s23 =	simm.s32 $0x1B8B  }
0xa2: {  	_ =	swait.ge [sflag:s23], $0x1  }
0xa3: {  	[sflag:s23] =	ssyncset.done $0x0  }
0xa4: {  	s25 =	simm.s32 $0x1B8E;
	s24 =	sld [smem:$0x3FFE];
	[sflag:s23] =	ssyncadd.s32 $0xFFFFFFFF  }
0xa5: {  	s26 =	simm.s32 $execute0_lowered;
	[smem:$0x3FD2] =	sst s25  }
0xa6: {  	s5 =	sshll.u32 s26, $0x1;
	_ =	strace $0x80000049;
	[dreg:$0x1] =	wrdreg $0xFFFFFFFF  }
0xa7: {  	s28 =	simm.s32 $_size_execute0_lowered;
	s3 =	sadd.s32 s3, s5;
	[dreg:$0x0] =	wrdreg $0x0  }
0xa8: {  	s5 =	sshll.u32 s28, $0x1;
	[dreg:$0x2] =	wrdreg s3  }
0xa9: {  	[dreg:$0x3] =	wrdreg s5  }
0xaa: {  	[dreg:$0x4] =	wrdreg $0xC0  }
0xab: {  	_ =	task [dreg:s7], $0x5FFFF  }
0xac: {  	[dreg:$0x1] =	wrdreg $0xFFFFFFFF  }
0xad: {  	[dreg:$0x0] =	wrdreg $0x60  }
0xae: {  	[dreg:$0x2] =	wrdreg s2  }
0xaf: {  	[dreg:$0x3] =	wrdreg s24  }
0xb0: {  	[dreg:$0x4] =	wrdreg $0xA8000  }
0xb1: {  	[dreg:$0x5] =	wrdreg $0x9  }
0xb2: {  	_ =	task.clear_ibuf [dreg:s7], $0x6FFFF;
	_ =	strace $0x90000049  }
0xb3: {  	s29 =	simm.s32 $0x9;
	_ =	strace $0x8000004B  }
0xb4: {  	_ =	swait.ge [sflag:s29], $0x1  }
0xb5: {  	[sflag:s29] =	ssyncadd.s32 $0xFFFFFFFF  }
0xb6: {  	_ =	strace $0x9000004B  }
0xb7: {  	_ =	sfence  }
0xb8: {  	s30 =	sld [smem:$0x0];
	_ =	sdelay $0x2  }
0xb9: {  	s31 =	sshll.u32 s1, $0xD;
	s1 =	sshrl.u32 s1, $0x2  }
0xba: {  	s3 =	sand.u32 $0x4000, s31;
	s1 =	sadd.s32 s1, s30  }
0xbb: {  	s0 =	sor.u32 s3, s0;
	s1 =	sshll.u32 s1, $0x11  }
0xbc: {  	s0 =	sor.u32 s1, s0  }
0xbd: {  	s0 =	sadd.s32 $0x8F2B, s0  }
0xbe: {  	[sflag:s0] =	ssyncadd.remote.s32 $0x1  }
0xbf: {  	_ =	sfence.sel $0xFFFF  }
0xc0: {  	[dreg:$0x0] =	wrdreg $0xFFFFFFFF;
	(pc) =	sbr.abs _section_cstart, $3  }
0xc1: {  	[dreg:$0x1] =	wrdreg $0xFFFFFFFF  }
0xc2: {  	_ =	task.clear_ibuf [dreg:s7], $0x2FFFF;
	_ =	strace $0x9FFFFFFF  }
0xc3: {  	(tm) =	ssettm $0x7FFFFFFF  }
tec
execute0_lowered:
.L_overlay_start_1:
0x0: {  	(tag) =	ssettag $0x1  }
0x1: {  	s1 =	rddreg [dreg:$0x0]  }
0x2: {  	s6 =	rddreg [dreg:$0x1]  }
0x3: {  	s2 =	rddreg [dreg:$0x2]  }
0x4: {  	s3 =	srdreg.scid;
	s0 =	rddreg [dreg:$0x3];
	s4 =	simm.s32 $0x0  }
0x5: {  	s15 =	simm.s32 $0x2800;
	s18 =	simm.s32 $0x1;
	s19 =	simm.s32 $0x6800  }
0x6: {  	s20 =	simm.s32 $0x1380;
	s21 =	simm.s32 $0x2700;
	s22 =	simm.s32 $0x2780  }
0x7: {  	s23 =	simm.s32 $0x0;
	s7 =	sand.u32 $0x1, s3;
	s3 =	stileid.u32  }
0x8: {  	[smem:$0x7FF] =	sst s4;
	s10 =	sadd.s32 $0xBE00, s6;
	s5 =	smul.u32 $0x140000, s7  }
0x9: {  	s11 =	sadd.s32 $0x1C00, s6;
	s8 =	smul.u32 $0x14000, s3;
	s9 =	sshll.u32 s3, $0x1  }
0xa: {  	_ =	strace $0x8000004A;
	s13 =	smul.u32 $0x50000, s3;
	s16 =	sshll.u32 s3, $0x6  }
0xb: {  	s9 =	sor.u32 s7, s9;
	s7 =	ssub.s32 $0x2, s7;
	s16 =	sor.u32 $0x1C02, s16  }
0xc: {  	s8 =	sadd.s32 s8, s5;
	s9 =	smul.u32 $0x2800, s9;
	s5 =	sadd.s32 $0x15E00, s6  }
0xd: {  	s12 =	sshrl.u32 s7, $0x1;
	s31 =	sshrl.u32 s13, $0x2;
	s13 =	simm.s32 $0x1400  }
0xe: {  	s8 =	sshrl.u32 s8, $0x3;
	s12 =	ssub.s32 s7, s12;
	s17 =	sadd.s32 s31, s2  }
0xf: {  	s9 =	sshrl.u32 s9, $0x3;
	s14 =	sadd.s32 s8, s6;
	s17 =	sshrl.u32 s17, $0x3  }
0x10: {  	s6 =	sadd.s32 s10, s9;
	s7 =	sadd.s32 s11, s9;
	s9 =	sadd.s32 $0x280, s9  }
0x11: {  	s8 =	sadd.s32 s10, s9;
	s9 =	sadd.s32 s11, s9;
	s10 =	sadd.s32 $0x18600, s14  }
0x12: {  	s11 =	smax.u32 s12, $0x1;
	s12 =	simm.s32 $0x2;
	s14 =	simm.s32 $0x80  }
.LBB2_1:
0x13: {  	[tilespmem:s4], [sflag:$0x2] =	stream.linear.gather [hbm4b:s6+s4], $0x1400, $0x38;
	[tilespmem:$0x1E800] =	vst v63  }
0x14: {  	_ =	swait.ge [sflag:s12], $0x1400  }
0x15: {  	[sflag:s12] =	ssyncset.done $0x0  }
0x16: {  	[sflag:s12] =	ssyncadd.s32 $0xFFFFEC00  }
0x17: {  	[tilespmem:s13], [sflag:$0x2] =	stream.linear.gather [hbm4b:s7+s4], $0x1400, $0x38;
	[tilespmem:$0x1E800] =	vst v63  }
0x18: {  	_ =	swait.ge [sflag:s12], $0x1400  }
0x19: {  	[sflag:s12] =	ssyncset.done $0x0  }
0x1a: {  	[sflag:s12] =	ssyncadd.s32 $0xFFFFEC00  }
0x1b: {  	[tilespmem:s15], [sflag:$0x1] =	stream.indirect.gather [hbm4b:s1+s14], $0x80, s4, s14, $0xb8;
	[tilespmem:$0x1E800] =	vst v63  }
0x1c: {  	[spmem:s17], [sflag:s16] =	dma.local [hbm:s5], $0x2800  }
0x1d: {  	_ =	swait.ge [sflag:s12], $0x2800  }
0x1e: {  	[sflag:s12] =	ssyncset.done $0x0  }
0x1f: {  	[sflag:s12] =	ssyncadd.s32 $0xFFFFD800  }
0x20: {  	[bflag:$0x0] =	sbarrier.arrive $0xFFFF  }
0x21: {  	_ =	swait.ge [sflag:s18], $0x4000  }
0x22: {  	[sflag:s18] =	ssyncset.done $0x0  }
0x23: {  	s24 =	simm.s32 $0x80;
	[sflag:s18] =	ssyncadd.s32 $0xFFFFC000  }
0x24: {  	[tilespmem:s19], [sflag:$0x1] =	stream.indirect.gather [hbm4b:s1+s14], $0x80, s24, s14, $0xb8;
	[tilespmem:$0x1E800] =	vst v63  }
0x25: {  	s29 =	simm.s32 $0x1400  }
0x26: {  	[spmem:s2] =	stream.indirect.scatter.add.f32 [tilespmem:s15], [sflag:$0x2], $0x80, s29, s14, $0xb8;
	[tilespmem:$0x1E800] =	vst v63  }
0x27: {  	_ =	swait.ge [sflag:s12], $0x4000  }
0x28: {  	[sflag:s12] =	ssyncset.done $0x0  }
0x29: {  	[sflag:s12] =	ssyncadd.s32 $0xFFFFC000  }
0x2a: {  	_ =	swait.ge [sflag:s18], $0x4000  }
0x2b: {  	[sflag:s18] =	ssyncset.done $0x0  }
0x2c: {  	s30 =	simm.s32 $0x100;
	[sflag:s18] =	ssyncadd.s32 $0xFFFFC000  }
0x2d: {  	[tilespmem:s15], [sflag:$0x1] =	stream.indirect.gather [hbm4b:s1+s14], $0x80, s30, s14, $0xb8;
	[tilespmem:$0x1E800] =	vst v63  }
0x2e: {  	s31 =	simm.s32 $0x1480  }
0x2f: {  	[spmem:s2] =	stream.indirect.scatter.add.f32 [tilespmem:s19], [sflag:$0x2], $0x80, s31, s14, $0xb8;
	[tilespmem:$0x1E800] =	vst v63  }
0x30: {  	_ =	swait.ge [sflag:s12], $0x4000  }
0x31: {  	s24 =	simm.s32 $0x400;
	[sflag:s12] =	ssyncset.done $0x0  }
.LBB2_2:
0x32: {  	p0 =	sne.s32 s24, $0x4800  }
0x33: {  	[sflag:s12] =	ssyncadd.s32 $0xFFFFC000;
	s25 =	smov.u32 s24;
	s24 =	sadd.s32 $0x400, s24  }
0x34: {  	_ = 	snop  }
0x35: {  	_ =	swait.ge [sflag:s18], $0x4000  }
0x36: {  	s25 =	sshra.s32 s25, $0x2;
	[sflag:s18] =	ssyncset.done $0x0  }
0x37: {  	s26 =	sadd.s32 $0x80, s25;
	[sflag:s18] =	ssyncadd.s32 $0xFFFFC000  }
0x38: {  	[tilespmem:s19], [sflag:$0x1] =	stream.indirect.gather [hbm4b:s1+s14], $0x80, s26, s14, $0xb8;
	[tilespmem:$0x1E800] =	vst v63  }
0x39: {  	s26 =	sadd.s32 $0x1400, s25  }
0x3a: {  	[spmem:s2] =	stream.indirect.scatter.add.f32 [tilespmem:s15], [sflag:$0x2], $0x80, s26, s14, $0xb8;
	[tilespmem:$0x1E800] =	vst v63  }
0x3b: {  	_ =	swait.ge [sflag:s12], $0x4000  }
0x3c: {  	[sflag:s12] =	ssyncset.done $0x0  }
0x3d: {  	[sflag:s12] =	ssyncadd.s32 $0xFFFFC000  }
0x3e: {  	_ =	swait.ge [sflag:s18], $0x4000  }
0x3f: {  	[sflag:s18] =	ssyncset.done $0x0  }
0x40: {  	s26 =	sadd.s32 $0x100, s25;
	[sflag:s18] =	ssyncadd.s32 $0xFFFFC000  }
0x41: {  	[tilespmem:s15], [sflag:$0x1] =	stream.indirect.gather [hbm4b:s1+s14], $0x80, s26, s14, $0xb8;
	[tilespmem:$0x1E800] =	vst v63  }
.Ltmp0:
0x42: {  	_ = 	snop;
	(pc) =	sbr.rel @p0 .LBB2_2-.Ltmp0, $4  }
0x43: {  	s25 =	sadd.s32 $0x1480, s25  }
0x44: {  	[spmem:s2] =	stream.indirect.scatter.add.f32 [tilespmem:s19], [sflag:$0x2], $0x80, s25, s14, $0xb8;
	[tilespmem:$0x1E800] =	vst v63  }
0x45: {  	_ =	swait.ge [sflag:s12], $0x4000  }
0x46: {  	[sflag:s12] =	ssyncset.done $0x0  }
0x47: {  	[sflag:s12] =	ssyncadd.s32 $0xFFFFC000  }
0x48: {  	_ =	swait.ge [sflag:s18], $0x4000  }
0x49: {  	[sflag:s18] =	ssyncset.done $0x0  }
0x4a: {  	[sflag:s18] =	ssyncadd.s32 $0xFFFFC000  }
0x4b: {  	[tilespmem:s19], [sflag:$0x1] =	stream.indirect.gather [hbm4b:s1+s14], $0x80, s20, s14, $0xb8;
	[tilespmem:$0x1E800] =	vst v63  }
0x4c: {  	_ = 	snop  }
0x4d: {  	[spmem:s2] =	stream.indirect.scatter.add.f32 [tilespmem:s15], [sflag:$0x2], $0x80, s21, s14, $0xb8;
	[tilespmem:$0x1E800] =	vst v63  }
0x4e: {  	_ =	swait.ge [sflag:s12], $0x4000  }
0x4f: {  	[sflag:s12] =	ssyncset.done $0x0  }
0x50: {  	[sflag:s12] =	ssyncadd.s32 $0xFFFFC000  }
0x51: {  	_ =	swait.ge [sflag:s18], $0x4000  }
0x52: {  	[sflag:s18] =	ssyncset.done $0x0  }
0x53: {  	[sflag:s18] =	ssyncadd.s32 $0xFFFFC000  }
0x54: {  	[spmem:s2] =	stream.indirect.scatter.add.f32 [tilespmem:s19], [sflag:$0x2], $0x80, s22, s14, $0xb8;
	[tilespmem:$0x1E800] =	vst v63  }
0x55: {  	_ =	swait.ge [sflag:s12], $0x4000  }
0x56: {  	[sflag:s12] =	ssyncset.done $0x0  }
0x57: {  	s24 =	simm.s32 $0x0;
	[sflag:s12] =	ssyncadd.s32 $0xFFFFC000  }
0x58: {  	[tilespmem:s24], [sflag:$0x2] =	stream.linear.gather [hbm4b:s8+s24], $0x1400, $0x38;
	[tilespmem:$0x1E800] =	vst v63  }
0x59: {  	_ =	swait.ge [sflag:s12], $0x1400  }
0x5a: {  	[sflag:s12] =	ssyncset.done $0x0  }
0x5b: {  	[sflag:s12] =	ssyncadd.s32 $0xFFFFEC00  }
0x5c: {  	[tilespmem:s13], [sflag:$0x2] =	stream.linear.gather [hbm4b:s9+s24], $0x1400, $0x38;
	[tilespmem:$0x1E800] =	vst v63  }
0x5d: {  	_ =	swait.ge [sflag:s12], $0x1400  }
0x5e: {  	[sflag:s12] =	ssyncset.done $0x0  }
0x5f: {  	[sflag:s12] =	ssyncadd.s32 $0xFFFFEC00  }
0x60: {  	[tilespmem:s15], [sflag:$0x1] =	stream.indirect.gather [hbm4b:s1+s14], $0x80, s24, s14, $0xb8;
	[tilespmem:$0x1E800] =	vst v63  }
0x61: {  	_ =	swait.ge [sflag:s18], $0x4000  }
0x62: {  	[sflag:s18] =	ssyncset.done $0x0  }
0x63: {  	s28 =	simm.s32 $0x80;
	[sflag:s18] =	ssyncadd.s32 $0xFFFFC000  }
0x64: {  	[tilespmem:s19], [sflag:$0x1] =	stream.indirect.gather [hbm4b:s1+s14], $0x80, s28, s14, $0xb8;
	[tilespmem:$0x1E800] =	vst v63  }
0x65: {  	s29 =	simm.s32 $0x1400  }
0x66: {  	[spmem:s2] =	stream.indirect.scatter.add.f32 [tilespmem:s15], [sflag:$0x2], $0x80, s29, s14, $0xb8;
	[tilespmem:$0x1E800] =	vst v63  }
0x67: {  	_ =	swait.ge [sflag:s12], $0x4000  }
0x68: {  	[sflag:s12] =	ssyncset.done $0x0  }
0x69: {  	[sflag:s12] =	ssyncadd.s32 $0xFFFFC000  }
0x6a: {  	_ =	swait.ge [sflag:s18], $0x4000  }
0x6b: {  	[sflag:s18] =	ssyncset.done $0x0  }
0x6c: {  	s30 =	simm.s32 $0x100;
	[sflag:s18] =	ssyncadd.s32 $0xFFFFC000  }
0x6d: {  	[tilespmem:s15], [sflag:$0x1] =	stream.indirect.gather [hbm4b:s1+s14], $0x80, s30, s14, $0xb8;
	[tilespmem:$0x1E800] =	vst v63  }
0x6e: {  	s31 =	simm.s32 $0x1480  }
0x6f: {  	[spmem:s2] =	stream.indirect.scatter.add.f32 [tilespmem:s19], [sflag:$0x2], $0x80, s31, s14, $0xb8;
	[tilespmem:$0x1E800] =	vst v63  }
0x70: {  	_ =	swait.ge [sflag:s12], $0x4000  }
0x71: {  	s24 =	simm.s32 $0x400;
	[sflag:s12] =	ssyncset.done $0x0  }
.LBB2_4:
0x72: {  	p0 =	sne.s32 s24, $0x4800  }
0x73: {  	[sflag:s12] =	ssyncadd.s32 $0xFFFFC000;
	s25 =	smov.u32 s24;
	s24 =	sadd.s32 $0x400, s24  }
0x74: {  	_ = 	snop  }
0x75: {  	_ =	swait.ge [sflag:s18], $0x4000  }
0x76: {  	s25 =	sshra.s32 s25, $0x2;
	[sflag:s18] =	ssyncset.done $0x0  }
0x77: {  	s26 =	sadd.s32 $0x80, s25;
	[sflag:s18] =	ssyncadd.s32 $0xFFFFC000  }
0x78: {  	[tilespmem:s19], [sflag:$0x1] =	stream.indirect.gather [hbm4b:s1+s14], $0x80, s26, s14, $0xb8;
	[tilespmem:$0x1E800] =	vst v63  }
0x79: {  	s26 =	sadd.s32 $0x1400, s25  }
0x7a: {  	[spmem:s2] =	stream.indirect.scatter.add.f32 [tilespmem:s15], [sflag:$0x2], $0x80, s26, s14, $0xb8;
	[tilespmem:$0x1E800] =	vst v63  }
0x7b: {  	_ =	swait.ge [sflag:s12], $0x4000  }
0x7c: {  	[sflag:s12] =	ssyncset.done $0x0  }
0x7d: {  	[sflag:s12] =	ssyncadd.s32 $0xFFFFC000  }
0x7e: {  	_ =	swait.ge [sflag:s18], $0x4000  }
0x7f: {  	[sflag:s18] =	ssyncset.done $0x0  }
0x80: {  	s26 =	sadd.s32 $0x100, s25;
	[sflag:s18] =	ssyncadd.s32 $0xFFFFC000  }
0x81: {  	[tilespmem:s15], [sflag:$0x1] =	stream.indirect.gather [hbm4b:s1+s14], $0x80, s26, s14, $0xb8;
	[tilespmem:$0x1E800] =	vst v63  }
.Ltmp1:
0x82: {  	_ = 	snop;
	(pc) =	sbr.rel @p0 .LBB2_4-.Ltmp1, $4  }
0x83: {  	s25 =	sadd.s32 $0x1480, s25  }
0x84: {  	[spmem:s2] =	stream.indirect.scatter.add.f32 [tilespmem:s19], [sflag:$0x2], $0x80, s25, s14, $0xb8;
	[tilespmem:$0x1E800] =	vst v63  }
0x85: {  	_ =	swait.ge [sflag:s12], $0x4000  }
0x86: {  	[sflag:s12] =	ssyncset.done $0x0  }
0x87: {  	[sflag:s12] =	ssyncadd.s32 $0xFFFFC000  }
0x88: {  	_ =	swait.ge [sflag:s18], $0x4000  }
0x89: {  	[sflag:s18] =	ssyncset.done $0x0  }
0x8a: {  	[sflag:s18] =	ssyncadd.s32 $0xFFFFC000  }
0x8b: {  	[tilespmem:s19], [sflag:$0x1] =	stream.indirect.gather [hbm4b:s1+s14], $0x80, s20, s14, $0xb8;
	[tilespmem:$0x1E800] =	vst v63  }
0x8c: {  	_ = 	snop  }
0x8d: {  	[spmem:s2] =	stream.indirect.scatter.add.f32 [tilespmem:s15], [sflag:$0x2], $0x80, s21, s14, $0xb8;
	[tilespmem:$0x1E800] =	vst v63  }
0x8e: {  	_ =	swait.ge [sflag:s12], $0x4000  }
0x8f: {  	[sflag:s12] =	ssyncset.done $0x0  }
0x90: {  	[sflag:s12] =	ssyncadd.s32 $0xFFFFC000  }
0x91: {  	_ =	swait.ge [sflag:s18], $0x4000  }
0x92: {  	[sflag:s18] =	ssyncset.done $0x0  }
0x93: {  	[sflag:s18] =	ssyncadd.s32 $0xFFFFC000  }
0x94: {  	[spmem:s2] =	stream.indirect.scatter.add.f32 [tilespmem:s19], [sflag:$0x2], $0x80, s22, s14, $0xb8;
	[tilespmem:$0x1E800] =	vst v63  }
0x95: {  	_ =	swait.ge [sflag:s12], $0x4000  }
0x96: {  	s23 =	sadd.s32 $0x1, s23;
	[sflag:s12] =	ssyncset.done $0x0  }
0x97: {  	p0 =	sne.s32 s23, s11;
	[sflag:s12] =	ssyncadd.s32 $0xFFFFC000  }
.Ltmp2:
0x98: {  	[bflag:$0x0] =	sbarrier.arrive $0xFFFF;
	(pc) =	sbr.rel @p0 .LBB2_1-.Ltmp2, $4  }
0x99: {  	[hbm:s10], [sflag:s16] =	dma.local [spmem:s17], $0x2800  }
0x9a: {  	_ =	swait.ge [sflag:s12], $0x2800  }
0x9b: {  	[sflag:s12] =	ssyncset.done $0x0  }
0x9c: {  	[sflag:s12] =	ssyncadd.s32 $0xFFFFD800  }
0x9d: {  	_ =	sfence.sel $0x180000  }
0x9e: {  	[bflag:$0x0] =	sbarrier.arrive $0xFFFF  }
0x9f: {  	p0 =	sne.s32 s3, $0x0;
	_ =	strace $0x9000004A  }
0xa0: {  	s0 =	sadd.s32 @!p0 $0x100000, s0;
	[bflag:$0x2] =	sbarrier.arrive $0xFFFF  }
0xa1: {  	[sflag:s0] =	ssyncadd.tile.s32 @!p0 $0x1;
	_ =	shalt  }
.Lfunc_end2:
_tile_overlayer_lowered:
.L_overlay_start_2:
0xa2: {  	(tag) =	ssettag $0x2  }
0xa3: {  	s0 =	rddreg [dreg:$0x0];
	s2 =	stileid.u32  }
0xa4: {  	s1 =	rddreg [dreg:$0x1];
	p0 =	sne.s32 s2, $0x0  }
0xa5: {  	s3 =	rddreg [dreg:$0x2];
	[bflag:$0x3] =	sbarrier.arrive $0xFFFF;
	s2 =	simm.s32 @!p0 $0x1C02  }
0xa6: {  	[timem:s3], [sflag:s2] =	dma.local @!p0 [hbm:s0], s1  }
0xa7: {  	s0 =	simm.s32 @!p0 $0x2  }
0xa8: {  	_ =	swait.ge @!p0 [sflag:s0], s1  }
0xa9: {  	s1 =	ssub.s32 @!p0 $0x0, s1;
	[sflag:s0] =	ssyncset.done @!p0 $0x0  }
0xaa: {  	[sflag:s0] =	ssyncadd.s32 @!p0 s1  }
0xab: {  	[bflag:$0x3] =	sbarrier.arrive $0xFFFF  }
0xac: {  	_ =	shalt  }

</sc_bundles>
